<compile_context>
chip_gen: v7x
topology: tpu7x:2x2x1
jax: 0.10.2.dev20260603
libtpu: 0.0.44.dev20260713+nightly
codegen_flags: <defaults>
</compile_context>

<pallas_src>
import functools

import jax
import jax.numpy as jnp
from jax import lax
from jax.experimental import pallas as pl
from jax.experimental.pallas import tpu as pltpu
from jax.experimental.pallas import tpu_sc as plsc

_NBUF = 8


def _emb_call(B, H, D, rows_per_w):
    mesh = plsc.VectorSubcoreMesh(core_axis_name="c", subcore_axis_name="s")
    n_outer = rows_per_w // _NBUF

    @functools.partial(
        pl.kernel,
        mesh=mesh,
        out_type=jax.ShapeDtypeStruct((B, 56, 2 * D), jnp.float32),
        scratch_types=(
            [pltpu.VMEM((rows_per_w, H), jnp.int32)]
            + [pltpu.VMEM((H, 2 * D), jnp.float32) for _ in range(_NBUF)]
            + [pltpu.SemaphoreType.DMA for _ in range(2 * _NBUF)]
        ),
        compiler_params=pltpu.CompilerParams(
            use_tc_tiling_on_sc=False, needs_layout_passes=False),
    )
    def _emb(idx_hbm, table_hbm, out_hbm, idx_v, *bufs_and_sems):
        rows = bufs_and_sems[:_NBUF]
        gsem = bufs_and_sems[_NBUF:2 * _NBUF]
        osem = bufs_and_sems[2 * _NBUF:]
        wid = lax.axis_index("s") * 2 + lax.axis_index("c")
        row_base = wid * rows_per_w
        pltpu.sync_copy(idx_hbm.at[pl.ds(row_base, rows_per_w)], idx_v)

        def gdesc(r, b):
            return pltpu.make_async_copy(
                table_hbm.at[idx_v.at[r]], rows[b], gsem[b])

        def odesc(r, b):
            return pltpu.make_async_copy(
                rows[b].at[:, pl.ds(0, D)],
                out_hbm.at[row_base + r, pl.ds(0, H), pl.ds(0, D)], osem[b])

        for b in range(_NBUF):
            gdesc(b, b).start()

        def step(outer, carry):
            r0 = outer * _NBUF
            for b in range(_NBUF):
                r = r0 + b
                gdesc(r, b).wait()
                odesc(r, b).start()

                @pl.when(outer < n_outer - 1)
                def _(r=r, b=b):
                    odesc(r, b).wait()
                    gdesc(r + _NBUF, b).start()

            return carry

        lax.fori_loop(0, n_outer, step, 0)
        for b in range(_NBUF):
            odesc(rows_per_w - _NBUF + b, b).wait()

    return _emb


def kernel(input, weight):
    B, H = input.shape
    V, D = weight.shape
    NW = 32
    rows_per_w = B // NW
    eye2 = jnp.concatenate(
        [jnp.eye(D, dtype=weight.dtype), jnp.eye(D, dtype=weight.dtype)], axis=1)
    w128 = weight @ eye2
    out56 = _emb_call(B, H, D, rows_per_w)(input, w128)
    return out56[:, :H, :D]

# --- scband reference (transcript-rebuilt; emitter-appended) ---
"""Pipeline reference for scband-vocab-parallel-embedding-65352222376483 (READ-ONLY COPY).

The authoritative reference and input builder live on the scoring server;
editing this copy changes nothing except your own understanding.
"""

import jax, jax.numpy as jnp
import numpy as np

NUM_EMBEDDINGS = 1000000
EMBED_DIM = 64
BATCH = 16384
HIST = 50

def setup_inputs(seed: int = 0) -> dict:
    key = jax.random.key(seed)
    k1, k2 = jax.random.split(key)
    input_ids = jax.random.randint(k1, (BATCH, HIST), 0, NUM_EMBEDDINGS, dtype=jnp.int64 if jax.config.jax_enable_x64 else jnp.int32).astype(jnp.int32)
    weight = jax.random.normal(k2, (NUM_EMBEDDINGS, EMBED_DIM), dtype=jnp.float32) * 0.02
    return {"input": input_ids, "weight": weight}

def reference(input, weight):
    # Single-shard (world_size == 1) path of VocabParallelEmbedding:
    # vocab_start = 0, vocab_end = num_embeddings, no masking, no all-reduce.
    # F.embedding(input, weight) == gather rows of the table.
    out = jnp.take(weight, input, axis=0)
    return out

if __name__ == "__main__":
    import jax
    _d = setup_inputs()
    print(jax.jit(kernel)(*tuple(_d.values())))

</pallas_src>

<mosaic_0001>
#map = affine_map<(d0, d1) -> (0, 0)>
#map1 = affine_map<(d0, d1) -> (0, 0, 0)>
module attributes {stable_mosaic.version = 14 : i64} {
  func.func @_emb(%arg0: i32, %arg1: i32, %arg2: memref<16384x50xi32, #tpu.memory_space<hbm>>, %arg3: memref<1000000x128xf32, #tpu.memory_space<hbm>>, %arg4: memref<16384x56x128xf32, #tpu.memory_space<hbm>>, %arg5: memref<512x50xi32, #tpu.memory_space<vmem>>, %arg6: memref<50x128xf32, #tpu.memory_space<vmem>>, %arg7: memref<50x128xf32, #tpu.memory_space<vmem>>, %arg8: memref<50x128xf32, #tpu.memory_space<vmem>>, %arg9: memref<50x128xf32, #tpu.memory_space<vmem>>, %arg10: memref<50x128xf32, #tpu.memory_space<vmem>>, %arg11: memref<50x128xf32, #tpu.memory_space<vmem>>, %arg12: memref<50x128xf32, #tpu.memory_space<vmem>>, %arg13: memref<50x128xf32, #tpu.memory_space<vmem>>, %arg14: memref<!tpu.dma_semaphore, #tpu.memory_space<semaphore_mem>>, %arg15: memref<!tpu.dma_semaphore, #tpu.memory_space<semaphore_mem>>, %arg16: memref<!tpu.dma_semaphore, #tpu.memory_space<semaphore_mem>>, %arg17: memref<!tpu.dma_semaphore, #tpu.memory_space<semaphore_mem>>, %arg18: memref<!tpu.dma_semaphore, #tpu.memory_space<semaphore_mem>>, %arg19: memref<!tpu.dma_semaphore, #tpu.memory_space<semaphore_mem>>, %arg20: memref<!tpu.dma_semaphore, #tpu.memory_space<semaphore_mem>>, %arg21: memref<!tpu.dma_semaphore, #tpu.memory_space<semaphore_mem>>, %arg22: memref<!tpu.dma_semaphore, #tpu.memory_space<semaphore_mem>>, %arg23: memref<!tpu.dma_semaphore, #tpu.memory_space<semaphore_mem>>, %arg24: memref<!tpu.dma_semaphore, #tpu.memory_space<semaphore_mem>>, %arg25: memref<!tpu.dma_semaphore, #tpu.memory_space<semaphore_mem>>, %arg26: memref<!tpu.dma_semaphore, #tpu.memory_space<semaphore_mem>>, %arg27: memref<!tpu.dma_semaphore, #tpu.memory_space<semaphore_mem>>, %arg28: memref<!tpu.dma_semaphore, #tpu.memory_space<semaphore_mem>>, %arg29: memref<!tpu.dma_semaphore, #tpu.memory_space<semaphore_mem>>) attributes {dimension_semantics = [#tpu.dimension_semantics<core_parallel>, #tpu.dimension_semantics<subcore_parallel>], iteration_bounds = array<i64: 2, 16>, scalar_prefetch = 0 : i64, scratch_operands = 25 : i64, tpu.core_type = #tpu.core_type<sc_vector_subcore>, window_params = [{transform_indices = #map}, {transform_indices = #map}, {transform_indices = #map1}]} {
    %mul3A = arith.constant 2 : i32
    %mul3A_0 = arith.muli %arg1, %mul3A : i32
    %add3A = arith.addi %mul3A_0, %arg0 : i32
    %mul3A_1 = arith.constant 512 : i32
    %mul3A_2 = arith.muli %add3A, %mul3A_1 : i32
    "tpu.region"() ({
      %run_scoped3A = tpu.sem_alloc : memref<!tpu.dma_semaphore, #tpu.memory_space<semaphore_mem>>
      %dma_start3A_190 = arith.constant 0 : i32
      %dma_start3A_191 = tpu.memref_slice %arg2[%mul3A_2, %dma_start3A_190] : memref<16384x50xi32, #tpu.memory_space<hbm>> -> memref<512x50xi32, #tpu.memory_space<hbm>>
      %dma_start3A_192 = arith.constant 0 : i32
      %dma_start3A_193 = tpu.memref_slice %arg2[%mul3A_2, %dma_start3A_192] : memref<16384x50xi32, #tpu.memory_space<hbm>> -> memref<512x50xi32, #tpu.memory_space<hbm>>
      tpu.enqueue_dma source(%dma_start3A_193 : memref<512x50xi32, #tpu.memory_space<hbm>>) target(%arg5 : memref<512x50xi32, #tpu.memory_space<vmem>>) target_semaphore(%run_scoped3A : memref<!tpu.dma_semaphore, #tpu.memory_space<semaphore_mem>>)
      %dma_wait3A_194 = arith.constant 0 : i32
      %dma_wait3A_195 = tpu.memref_slice %arg2[%mul3A_2, %dma_wait3A_194] : memref<16384x50xi32, #tpu.memory_space<hbm>> -> memref<512x50xi32, #tpu.memory_space<hbm>>
      %dma_wait3A_196 = arith.constant 0 : i32
      %dma_wait3A_197 = tpu.memref_slice %arg2[%mul3A_2, %dma_wait3A_196] : memref<16384x50xi32, #tpu.memory_space<hbm>> -> memref<512x50xi32, #tpu.memory_space<hbm>>
      tpu.wait_dma2 semaphore(%run_scoped3A : memref<!tpu.dma_semaphore, #tpu.memory_space<semaphore_mem>>) src(%dma_wait3A_197 : memref<512x50xi32, #tpu.memory_space<hbm>>) dst(%arg5 : memref<512x50xi32, #tpu.memory_space<vmem>>)
      tpu.yield
    }) : () -> ()
    %dma_start3A = arith.constant 0 : i32
    %dma_start3A_3 = arith.constant 0 : i32
    %dma_start3A_4 = tpu.memref_slice %arg5[%dma_start3A, %dma_start3A_3] : memref<512x50xi32, #tpu.memory_space<vmem>> -> memref<1x50xi32, #tpu.memory_space<vmem>>
    %dma_start3A_5 = tpu.memref_squeeze %dma_start3A_4 : memref<1x50xi32, #tpu.memory_space<vmem>> -> memref<50xi32, #tpu.memory_space<vmem>>
    %dma_start3A_6 = arith.constant 0 : i32
    %dma_start3A_7 = arith.constant 0 : i32
    %dma_start3A_8 = tpu.memref_slice %arg3[%dma_start3A_6, %dma_start3A_7] : memref<1000000x128xf32, #tpu.memory_space<hbm>> -> memref<1000000x128xf32, #tpu.memory_space<hbm>>
    tpu.enqueue_indirect_dma source(%dma_start3A_8 : memref<1000000x128xf32, #tpu.memory_space<hbm>>) target(%arg6 : memref<50x128xf32, #tpu.memory_space<vmem>>) offsets(%dma_start3A_5 : memref<50xi32, #tpu.memory_space<vmem>>) semaphore(%arg14 : memref<!tpu.dma_semaphore, #tpu.memory_space<semaphore_mem>>)
    %dma_start3A_9 = arith.constant 1 : i32
    %dma_start3A_10 = arith.constant 0 : i32
    %dma_start3A_11 = tpu.memref_slice %arg5[%dma_start3A_9, %dma_start3A_10] : memref<512x50xi32, #tpu.memory_space<vmem>> -> memref<1x50xi32, #tpu.memory_space<vmem>>
    %dma_start3A_12 = tpu.memref_squeeze %dma_start3A_11 : memref<1x50xi32, #tpu.memory_space<vmem>> -> memref<50xi32, #tpu.memory_space<vmem>>
    %dma_start3A_13 = arith.constant 0 : i32
    %dma_start3A_14 = arith.constant 0 : i32
    %dma_start3A_15 = tpu.memref_slice %arg3[%dma_start3A_13, %dma_start3A_14] : memref<1000000x128xf32, #tpu.memory_space<hbm>> -> memref<1000000x128xf32, #tpu.memory_space<hbm>>
    tpu.enqueue_indirect_dma source(%dma_start3A_15 : memref<1000000x128xf32, #tpu.memory_space<hbm>>) target(%arg7 : memref<50x128xf32, #tpu.memory_space<vmem>>) offsets(%dma_start3A_12 : memref<50xi32, #tpu.memory_space<vmem>>) semaphore(%arg15 : memref<!tpu.dma_semaphore, #tpu.memory_space<semaphore_mem>>)
    %dma_start3A_16 = arith.constant 2 : i32
    %dma_start3A_17 = arith.constant 0 : i32
    %dma_start3A_18 = tpu.memref_slice %arg5[%dma_start3A_16, %dma_start3A_17] : memref<512x50xi32, #tpu.memory_space<vmem>> -> memref<1x50xi32, #tpu.memory_space<vmem>>
    %dma_start3A_19 = tpu.memref_squeeze %dma_start3A_18 : memref<1x50xi32, #tpu.memory_space<vmem>> -> memref<50xi32, #tpu.memory_space<vmem>>
    %dma_start3A_20 = arith.constant 0 : i32
    %dma_start3A_21 = arith.constant 0 : i32
    %dma_start3A_22 = tpu.memref_slice %arg3[%dma_start3A_20, %dma_start3A_21] : memref<1000000x128xf32, #tpu.memory_space<hbm>> -> memref<1000000x128xf32, #tpu.memory_space<hbm>>
    tpu.enqueue_indirect_dma source(%dma_start3A_22 : memref<1000000x128xf32, #tpu.memory_space<hbm>>) target(%arg8 : memref<50x128xf32, #tpu.memory_space<vmem>>) offsets(%dma_start3A_19 : memref<50xi32, #tpu.memory_space<vmem>>) semaphore(%arg16 : memref<!tpu.dma_semaphore, #tpu.memory_space<semaphore_mem>>)
    %dma_start3A_23 = arith.constant 3 : i32
    %dma_start3A_24 = arith.constant 0 : i32
    %dma_start3A_25 = tpu.memref_slice %arg5[%dma_start3A_23, %dma_start3A_24] : memref<512x50xi32, #tpu.memory_space<vmem>> -> memref<1x50xi32, #tpu.memory_space<vmem>>
    %dma_start3A_26 = tpu.memref_squeeze %dma_start3A_25 : memref<1x50xi32, #tpu.memory_space<vmem>> -> memref<50xi32, #tpu.memory_space<vmem>>
    %dma_start3A_27 = arith.constant 0 : i32
    %dma_start3A_28 = arith.constant 0 : i32
    %dma_start3A_29 = tpu.memref_slice %arg3[%dma_start3A_27, %dma_start3A_28] : memref<1000000x128xf32, #tpu.memory_space<hbm>> -> memref<1000000x128xf32, #tpu.memory_space<hbm>>
    tpu.enqueue_indirect_dma source(%dma_start3A_29 : memref<1000000x128xf32, #tpu.memory_space<hbm>>) target(%arg9 : memref<50x128xf32, #tpu.memory_space<vmem>>) offsets(%dma_start3A_26 : memref<50xi32, #tpu.memory_space<vmem>>) semaphore(%arg17 : memref<!tpu.dma_semaphore, #tpu.memory_space<semaphore_mem>>)
    %dma_start3A_30 = arith.constant 4 : i32
    %dma_start3A_31 = arith.constant 0 : i32
    %dma_start3A_32 = tpu.memref_slice %arg5[%dma_start3A_30, %dma_start3A_31] : memref<512x50xi32, #tpu.memory_space<vmem>> -> memref<1x50xi32, #tpu.memory_space<vmem>>
    %dma_start3A_33 = tpu.memref_squeeze %dma_start3A_32 : memref<1x50xi32, #tpu.memory_space<vmem>> -> memref<50xi32, #tpu.memory_space<vmem>>
    %dma_start3A_34 = arith.constant 0 : i32
    %dma_start3A_35 = arith.constant 0 : i32
    %dma_start3A_36 = tpu.memref_slice %arg3[%dma_start3A_34, %dma_start3A_35] : memref<1000000x128xf32, #tpu.memory_space<hbm>> -> memref<1000000x128xf32, #tpu.memory_space<hbm>>
    tpu.enqueue_indirect_dma source(%dma_start3A_36 : memref<1000000x128xf32, #tpu.memory_space<hbm>>) target(%arg10 : memref<50x128xf32, #tpu.memory_space<vmem>>) offsets(%dma_start3A_33 : memref<50xi32, #tpu.memory_space<vmem>>) semaphore(%arg18 : memref<!tpu.dma_semaphore, #tpu.memory_space<semaphore_mem>>)
    %dma_start3A_37 = arith.constant 5 : i32
    %dma_start3A_38 = arith.constant 0 : i32
    %dma_start3A_39 = tpu.memref_slice %arg5[%dma_start3A_37, %dma_start3A_38] : memref<512x50xi32, #tpu.memory_space<vmem>> -> memref<1x50xi32, #tpu.memory_space<vmem>>
    %dma_start3A_40 = tpu.memref_squeeze %dma_start3A_39 : memref<1x50xi32, #tpu.memory_space<vmem>> -> memref<50xi32, #tpu.memory_space<vmem>>
    %dma_start3A_41 = arith.constant 0 : i32
    %dma_start3A_42 = arith.constant 0 : i32
    %dma_start3A_43 = tpu.memref_slice %arg3[%dma_start3A_41, %dma_start3A_42] : memref<1000000x128xf32, #tpu.memory_space<hbm>> -> memref<1000000x128xf32, #tpu.memory_space<hbm>>
    tpu.enqueue_indirect_dma source(%dma_start3A_43 : memref<1000000x128xf32, #tpu.memory_space<hbm>>) target(%arg11 : memref<50x128xf32, #tpu.memory_space<vmem>>) offsets(%dma_start3A_40 : memref<50xi32, #tpu.memory_space<vmem>>) semaphore(%arg19 : memref<!tpu.dma_semaphore, #tpu.memory_space<semaphore_mem>>)
    %dma_start3A_44 = arith.constant 6 : i32
    %dma_start3A_45 = arith.constant 0 : i32
    %dma_start3A_46 = tpu.memref_slice %arg5[%dma_start3A_44, %dma_start3A_45] : memref<512x50xi32, #tpu.memory_space<vmem>> -> memref<1x50xi32, #tpu.memory_space<vmem>>
    %dma_start3A_47 = tpu.memref_squeeze %dma_start3A_46 : memref<1x50xi32, #tpu.memory_space<vmem>> -> memref<50xi32, #tpu.memory_space<vmem>>
    %dma_start3A_48 = arith.constant 0 : i32
    %dma_start3A_49 = arith.constant 0 : i32
    %dma_start3A_50 = tpu.memref_slice %arg3[%dma_start3A_48, %dma_start3A_49] : memref<1000000x128xf32, #tpu.memory_space<hbm>> -> memref<1000000x128xf32, #tpu.memory_space<hbm>>
    tpu.enqueue_indirect_dma source(%dma_start3A_50 : memref<1000000x128xf32, #tpu.memory_space<hbm>>) target(%arg12 : memref<50x128xf32, #tpu.memory_space<vmem>>) offsets(%dma_start3A_47 : memref<50xi32, #tpu.memory_space<vmem>>) semaphore(%arg20 : memref<!tpu.dma_semaphore, #tpu.memory_space<semaphore_mem>>)
    %dma_start3A_51 = arith.constant 7 : i32
    %dma_start3A_52 = arith.constant 0 : i32
    %dma_start3A_53 = tpu.memref_slice %arg5[%dma_start3A_51, %dma_start3A_52] : memref<512x50xi32, #tpu.memory_space<vmem>> -> memref<1x50xi32, #tpu.memory_space<vmem>>
    %dma_start3A_54 = tpu.memref_squeeze %dma_start3A_53 : memref<1x50xi32, #tpu.memory_space<vmem>> -> memref<50xi32, #tpu.memory_space<vmem>>
    %dma_start3A_55 = arith.constant 0 : i32
    %dma_start3A_56 = arith.constant 0 : i32
    %dma_start3A_57 = tpu.memref_slice %arg3[%dma_start3A_55, %dma_start3A_56] : memref<1000000x128xf32, #tpu.memory_space<hbm>> -> memref<1000000x128xf32, #tpu.memory_space<hbm>>
    tpu.enqueue_indirect_dma source(%dma_start3A_57 : memref<1000000x128xf32, #tpu.memory_space<hbm>>) target(%arg13 : memref<50x128xf32, #tpu.memory_space<vmem>>) offsets(%dma_start3A_54 : memref<50xi32, #tpu.memory_space<vmem>>) semaphore(%arg21 : memref<!tpu.dma_semaphore, #tpu.memory_space<semaphore_mem>>)
    %scan3A = arith.constant 0 : i32
    %scan3A_58 = arith.constant 0 : i32
    %scan3A_59 = arith.constant 64 : i32
    %scan3A_60 = arith.addi %scan3A_58, %scan3A_59 : i32
    %scan3A_61 = arith.constant 1 : i32
    scf.for %scan3A_190 = %scan3A_58 to %scan3A_60 step %scan3A_61  : i32 {
      %mul3A_191 = arith.constant 8 : i32
      %mul3A_192 = arith.muli %scan3A_190, %mul3A_191 : i32
      %add3A_193 = arith.constant 0 : i32
      %add3A_194 = arith.addi %mul3A_192, %add3A_193 : i32
      %dma_wait3A_195 = arith.constant 0 : i32
      %dma_wait3A_196 = tpu.memref_slice %arg5[%add3A_194, %dma_wait3A_195] : memref<512x50xi32, #tpu.memory_space<vmem>> -> memref<1x50xi32, #tpu.memory_space<vmem>>
      %dma_wait3A_197 = tpu.memref_squeeze %dma_wait3A_196 : memref<1x50xi32, #tpu.memory_space<vmem>> -> memref<50xi32, #tpu.memory_space<vmem>>
      %dma_wait3A_198 = arith.constant 0 : i32
      %dma_wait3A_199 = arith.constant 0 : i32
      %dma_wait3A_200 = tpu.memref_slice %arg3[%dma_wait3A_198, %dma_wait3A_199] : memref<1000000x128xf32, #tpu.memory_space<hbm>> -> memref<1000000x128xf32, #tpu.memory_space<hbm>>
      tpu.wait_indirect_dma semaphore(%arg14 : memref<!tpu.dma_semaphore, #tpu.memory_space<semaphore_mem>>) src(%dma_wait3A_200 : memref<1000000x128xf32, #tpu.memory_space<hbm>>) dst(%arg6 : memref<50x128xf32, #tpu.memory_space<vmem>>)
      %add3A_201 = arith.addi %mul3A_2, %add3A_194 : i32
      %dma_start3A_202 = arith.constant 0 : i32
      %dma_start3A_203 = arith.constant 0 : i32
      %dma_start3A_204 = tpu.memref_slice %arg6[%dma_start3A_202, %dma_start3A_203] : memref<50x128xf32, #tpu.memory_space<vmem>> -> memref<50x64xf32, #tpu.memory_space<vmem>>
      %dma_start3A_205 = arith.constant 0 : i32
      %dma_start3A_206 = arith.constant 0 : i32
      %dma_start3A_207 = tpu.memref_slice %arg4[%add3A_201, %dma_start3A_205, %dma_start3A_206] : memref<16384x56x128xf32, #tpu.memory_space<hbm>> -> memref<1x50x64xf32, #tpu.memory_space<hbm>>
      %dma_start3A_208 = tpu.memref_squeeze %dma_start3A_207 : memref<1x50x64xf32, #tpu.memory_space<hbm>> -> memref<50x64xf32, #tpu.memory_space<hbm>>
      %dma_start3A_209 = arith.constant 0 : i32
      %dma_start3A_210 = arith.constant 0 : i32
      %dma_start3A_211 = tpu.memref_slice %arg4[%add3A_201, %dma_start3A_209, %dma_start3A_210] : memref<16384x56x128xf32, #tpu.memory_space<hbm>> -> memref<1x50x64xf32, #tpu.memory_space<hbm>>
      %dma_start3A_212 = tpu.memref_squeeze %dma_start3A_211 : memref<1x50x64xf32, #tpu.memory_space<hbm>> -> memref<50x64xf32, #tpu.memory_space<hbm>>
      %dma_start3A_213 = arith.constant 0 : i32
      %dma_start3A_214 = arith.constant 0 : i32
      %dma_start3A_215 = tpu.memref_slice %arg6[%dma_start3A_213, %dma_start3A_214] : memref<50x128xf32, #tpu.memory_space<vmem>> -> memref<50x64xf32, #tpu.memory_space<vmem>>
      tpu.enqueue_dma source(%dma_start3A_215 : memref<50x64xf32, #tpu.memory_space<vmem>>) target(%dma_start3A_212 : memref<50x64xf32, #tpu.memory_space<hbm>>) target_semaphore(%arg22 : memref<!tpu.dma_semaphore, #tpu.memory_space<semaphore_mem>>)
      %lt3A = arith.constant 63 : i32
      %lt3A_216 = arith.cmpi slt, %scan3A_190, %lt3A : i32
      %convert_element_type3A = arith.extui %lt3A_216 : i1 to i32
      %cond3A = arith.constant 0 : i32
      %cond3A_217 = arith.cmpi ne, %convert_element_type3A, %cond3A : i32
      scf.if %cond3A_217 {
        %add3A_414 = arith.addi %mul3A_2, %add3A_194 : i32
        %dma_wait3A_415 = arith.constant 0 : i32
        %dma_wait3A_416 = arith.constant 0 : i32
        %dma_wait3A_417 = tpu.memref_slice %arg6[%dma_wait3A_415, %dma_wait3A_416] : memref<50x128xf32, #tpu.memory_space<vmem>> -> memref<50x64xf32, #tpu.memory_space<vmem>>
        %dma_wait3A_418 = arith.constant 0 : i32
        %dma_wait3A_419 = arith.constant 0 : i32
        %dma_wait3A_420 = tpu.memref_slice %arg4[%add3A_414, %dma_wait3A_418, %dma_wait3A_419] : memref<16384x56x128xf32, #tpu.memory_space<hbm>> -> memref<1x50x64xf32, #tpu.memory_space<hbm>>
        %dma_wait3A_421 = tpu.memref_squeeze %dma_wait3A_420 : memref<1x50x64xf32, #tpu.memory_space<hbm>> -> memref<50x64xf32, #tpu.memory_space<hbm>>
        %dma_wait3A_422 = arith.constant 0 : i32
        %dma_wait3A_423 = arith.constant 0 : i32
        %dma_wait3A_424 = tpu.memref_slice %arg4[%add3A_414, %dma_wait3A_422, %dma_wait3A_423] : memref<16384x56x128xf32, #tpu.memory_space<hbm>> -> memref<1x50x64xf32, #tpu.memory_space<hbm>>
        %dma_wait3A_425 = tpu.memref_squeeze %dma_wait3A_424 : memref<1x50x64xf32, #tpu.memory_space<hbm>> -> memref<50x64xf32, #tpu.memory_space<hbm>>
        %dma_wait3A_426 = arith.constant 0 : i32
        %dma_wait3A_427 = arith.constant 0 : i32
        %dma_wait3A_428 = tpu.memref_slice %arg6[%dma_wait3A_426, %dma_wait3A_427] : memref<50x128xf32, #tpu.memory_space<vmem>> -> memref<50x64xf32, #tpu.memory_space<vmem>>
        tpu.wait_dma2 semaphore(%arg22 : memref<!tpu.dma_semaphore, #tpu.memory_space<semaphore_mem>>) src(%dma_wait3A_428 : memref<50x64xf32, #tpu.memory_space<vmem>>) dst(%dma_wait3A_425 : memref<50x64xf32, #tpu.memory_space<hbm>>)
        %add3A_429 = arith.constant 8 : i32
        %add3A_430 = arith.addi %add3A_194, %add3A_429 : i32
        %dma_start3A_431 = arith.constant 0 : i32
        %dma_start3A_432 = tpu.memref_slice %arg5[%add3A_430, %dma_start3A_431] : memref<512x50xi32, #tpu.memory_space<vmem>> -> memref<1x50xi32, #tpu.memory_space<vmem>>
        %dma_start3A_433 = tpu.memref_squeeze %dma_start3A_432 : memref<1x50xi32, #tpu.memory_space<vmem>> -> memref<50xi32, #tpu.memory_space<vmem>>
        %dma_start3A_434 = arith.constant 0 : i32
        %dma_start3A_435 = arith.constant 0 : i32
        %dma_start3A_436 = tpu.memref_slice %arg3[%dma_start3A_434, %dma_start3A_435] : memref<1000000x128xf32, #tpu.memory_space<hbm>> -> memref<1000000x128xf32, #tpu.memory_space<hbm>>
        tpu.enqueue_indirect_dma source(%dma_start3A_436 : memref<1000000x128xf32, #tpu.memory_space<hbm>>) target(%arg6 : memref<50x128xf32, #tpu.memory_space<vmem>>) offsets(%dma_start3A_433 : memref<50xi32, #tpu.memory_space<vmem>>) semaphore(%arg14 : memref<!tpu.dma_semaphore, #tpu.memory_space<semaphore_mem>>)
      } else {
      }
      %add3A_218 = arith.constant 1 : i32
      %add3A_219 = arith.addi %mul3A_192, %add3A_218 : i32
      %dma_wait3A_220 = arith.constant 0 : i32
      %dma_wait3A_221 = tpu.memref_slice %arg5[%add3A_219, %dma_wait3A_220] : memref<512x50xi32, #tpu.memory_space<vmem>> -> memref<1x50xi32, #tpu.memory_space<vmem>>
      %dma_wait3A_222 = tpu.memref_squeeze %dma_wait3A_221 : memref<1x50xi32, #tpu.memory_space<vmem>> -> memref<50xi32, #tpu.memory_space<vmem>>
      %dma_wait3A_223 = arith.constant 0 : i32
      %dma_wait3A_224 = arith.constant 0 : i32
      %dma_wait3A_225 = tpu.memref_slice %arg3[%dma_wait3A_223, %dma_wait3A_224] : memref<1000000x128xf32, #tpu.memory_space<hbm>> -> memref<1000000x128xf32, #tpu.memory_space<hbm>>
      tpu.wait_indirect_dma semaphore(%arg15 : memref<!tpu.dma_semaphore, #tpu.memory_space<semaphore_mem>>) src(%dma_wait3A_225 : memref<1000000x128xf32, #tpu.memory_space<hbm>>) dst(%arg7 : memref<50x128xf32, #tpu.memory_space<vmem>>)
      %add3A_226 = arith.addi %mul3A_2, %add3A_219 : i32
      %dma_start3A_227 = arith.constant 0 : i32
      %dma_start3A_228 = arith.constant 0 : i32
      %dma_start3A_229 = tpu.memref_slice %arg7[%dma_start3A_227, %dma_start3A_228] : memref<50x128xf32, #tpu.memory_space<vmem>> -> memref<50x64xf32, #tpu.memory_space<vmem>>
      %dma_start3A_230 = arith.constant 0 : i32
      %dma_start3A_231 = arith.constant 0 : i32
      %dma_start3A_232 = tpu.memref_slice %arg4[%add3A_226, %dma_start3A_230, %dma_start3A_231] : memref<16384x56x128xf32, #tpu.memory_space<hbm>> -> memref<1x50x64xf32, #tpu.memory_space<hbm>>
      %dma_start3A_233 = tpu.memref_squeeze %dma_start3A_232 : memref<1x50x64xf32, #tpu.memory_space<hbm>> -> memref<50x64xf32, #tpu.memory_space<hbm>>
      %dma_start3A_234 = arith.constant 0 : i32
      %dma_start3A_235 = arith.constant 0 : i32
      %dma_start3A_236 = tpu.memref_slice %arg4[%add3A_226, %dma_start3A_234, %dma_start3A_235] : memref<16384x56x128xf32, #tpu.memory_space<hbm>> -> memref<1x50x64xf32, #tpu.memory_space<hbm>>
      %dma_start3A_237 = tpu.memref_squeeze %dma_start3A_236 : memref<1x50x64xf32, #tpu.memory_space<hbm>> -> memref<50x64xf32, #tpu.memory_space<hbm>>
      %dma_start3A_238 = arith.constant 0 : i32
      %dma_start3A_239 = arith.constant 0 : i32
      %dma_start3A_240 = tpu.memref_slice %arg7[%dma_start3A_238, %dma_start3A_239] : memref<50x128xf32, #tpu.memory_space<vmem>> -> memref<50x64xf32, #tpu.memory_space<vmem>>
      tpu.enqueue_dma source(%dma_start3A_240 : memref<50x64xf32, #tpu.memory_space<vmem>>) target(%dma_start3A_237 : memref<50x64xf32, #tpu.memory_space<hbm>>) target_semaphore(%arg23 : memref<!tpu.dma_semaphore, #tpu.memory_space<semaphore_mem>>)
      %lt3A_241 = arith.constant 63 : i32
      %lt3A_242 = arith.cmpi slt, %scan3A_190, %lt3A_241 : i32
      %convert_element_type3A_243 = arith.extui %lt3A_242 : i1 to i32
      %cond3A_244 = arith.constant 0 : i32
      %cond3A_245 = arith.cmpi ne, %convert_element_type3A_243, %cond3A_244 : i32
      scf.if %cond3A_245 {
        %add3A_414 = arith.addi %mul3A_2, %add3A_219 : i32
        %dma_wait3A_415 = arith.constant 0 : i32
        %dma_wait3A_416 = arith.constant 0 : i32
        %dma_wait3A_417 = tpu.memref_slice %arg7[%dma_wait3A_415, %dma_wait3A_416] : memref<50x128xf32, #tpu.memory_space<vmem>> -> memref<50x64xf32, #tpu.memory_space<vmem>>
        %dma_wait3A_418 = arith.constant 0 : i32
        %dma_wait3A_419 = arith.constant 0 : i32
        %dma_wait3A_420 = tpu.memref_slice %arg4[%add3A_414, %dma_wait3A_418, %dma_wait3A_419] : memref<16384x56x128xf32, #tpu.memory_space<hbm>> -> memref<1x50x64xf32, #tpu.memory_space<hbm>>
        %dma_wait3A_421 = tpu.memref_squeeze %dma_wait3A_420 : memref<1x50x64xf32, #tpu.memory_space<hbm>> -> memref<50x64xf32, #tpu.memory_space<hbm>>
        %dma_wait3A_422 = arith.constant 0 : i32
        %dma_wait3A_423 = arith.constant 0 : i32
        %dma_wait3A_424 = tpu.memref_slice %arg4[%add3A_414, %dma_wait3A_422, %dma_wait3A_423] : memref<16384x56x128xf32, #tpu.memory_space<hbm>> -> memref<1x50x64xf32, #tpu.memory_space<hbm>>
        %dma_wait3A_425 = tpu.memref_squeeze %dma_wait3A_424 : memref<1x50x64xf32, #tpu.memory_space<hbm>> -> memref<50x64xf32, #tpu.memory_space<hbm>>
        %dma_wait3A_426 = arith.constant 0 : i32
        %dma_wait3A_427 = arith.constant 0 : i32
        %dma_wait3A_428 = tpu.memref_slice %arg7[%dma_wait3A_426, %dma_wait3A_427] : memref<50x128xf32, #tpu.memory_space<vmem>> -> memref<50x64xf32, #tpu.memory_space<vmem>>
        tpu.wait_dma2 semaphore(%arg23 : memref<!tpu.dma_semaphore, #tpu.memory_space<semaphore_mem>>) src(%dma_wait3A_428 : memref<50x64xf32, #tpu.memory_space<vmem>>) dst(%dma_wait3A_425 : memref<50x64xf32, #tpu.memory_space<hbm>>)
        %add3A_429 = arith.constant 8 : i32
        %add3A_430 = arith.addi %add3A_219, %add3A_429 : i32
        %dma_start3A_431 = arith.constant 0 : i32
        %dma_start3A_432 = tpu.memref_slice %arg5[%add3A_430, %dma_start3A_431] : memref<512x50xi32, #tpu.memory_space<vmem>> -> memref<1x50xi32, #tpu.memory_space<vmem>>
        %dma_start3A_433 = tpu.memref_squeeze %dma_start3A_432 : memref<1x50xi32, #tpu.memory_space<vmem>> -> memref<50xi32, #tpu.memory_space<vmem>>
        %dma_start3A_434 = arith.constant 0 : i32
        %dma_start3A_435 = arith.constant 0 : i32
        %dma_start3A_436 = tpu.memref_slice %arg3[%dma_start3A_434, %dma_start3A_435] : memref<1000000x128xf32, #tpu.memory_space<hbm>> -> memref<1000000x128xf32, #tpu.memory_space<hbm>>
        tpu.enqueue_indirect_dma source(%dma_start3A_436 : memref<1000000x128xf32, #tpu.memory_space<hbm>>) target(%arg7 : memref<50x128xf32, #tpu.memory_space<vmem>>) offsets(%dma_start3A_433 : memref<50xi32, #tpu.memory_space<vmem>>) semaphore(%arg15 : memref<!tpu.dma_semaphore, #tpu.memory_space<semaphore_mem>>)
      } else {
      }
      %add3A_246 = arith.constant 2 : i32
      %add3A_247 = arith.addi %mul3A_192, %add3A_246 : i32
      %dma_wait3A_248 = arith.constant 0 : i32
      %dma_wait3A_249 = tpu.memref_slice %arg5[%add3A_247, %dma_wait3A_248] : memref<512x50xi32, #tpu.memory_space<vmem>> -> memref<1x50xi32, #tpu.memory_space<vmem>>
      %dma_wait3A_250 = tpu.memref_squeeze %dma_wait3A_249 : memref<1x50xi32, #tpu.memory_space<vmem>> -> memref<50xi32, #tpu.memory_space<vmem>>
      %dma_wait3A_251 = arith.constant 0 : i32
      %dma_wait3A_252 = arith.constant 0 : i32
      %dma_wait3A_253 = tpu.memref_slice %arg3[%dma_wait3A_251, %dma_wait3A_252] : memref<1000000x128xf32, #tpu.memory_space<hbm>> -> memref<1000000x128xf32, #tpu.memory_space<hbm>>
      tpu.wait_indirect_dma semaphore(%arg16 : memref<!tpu.dma_semaphore, #tpu.memory_space<semaphore_mem>>) src(%dma_wait3A_253 : memref<1000000x128xf32, #tpu.memory_space<hbm>>) dst(%arg8 : memref<50x128xf32, #tpu.memory_space<vmem>>)
      %add3A_254 = arith.addi %mul3A_2, %add3A_247 : i32
      %dma_start3A_255 = arith.constant 0 : i32
      %dma_start3A_256 = arith.constant 0 : i32
      %dma_start3A_257 = tpu.memref_slice %arg8[%dma_start3A_255, %dma_start3A_256] : memref<50x128xf32, #tpu.memory_space<vmem>> -> memref<50x64xf32, #tpu.memory_space<vmem>>
      %dma_start3A_258 = arith.constant 0 : i32
      %dma_start3A_259 = arith.constant 0 : i32
      %dma_start3A_260 = tpu.memref_slice %arg4[%add3A_254, %dma_start3A_258, %dma_start3A_259] : memref<16384x56x128xf32, #tpu.memory_space<hbm>> -> memref<1x50x64xf32, #tpu.memory_space<hbm>>
      %dma_start3A_261 = tpu.memref_squeeze %dma_start3A_260 : memref<1x50x64xf32, #tpu.memory_space<hbm>> -> memref<50x64xf32, #tpu.memory_space<hbm>>
      %dma_start3A_262 = arith.constant 0 : i32
      %dma_start3A_263 = arith.constant 0 : i32
      %dma_start3A_264 = tpu.memref_slice %arg4[%add3A_254, %dma_start3A_262, %dma_start3A_263] : memref<16384x56x128xf32, #tpu.memory_space<hbm>> -> memref<1x50x64xf32, #tpu.memory_space<hbm>>
      %dma_start3A_265 = tpu.memref_squeeze %dma_start3A_264 : memref<1x50x64xf32, #tpu.memory_space<hbm>> -> memref<50x64xf32, #tpu.memory_space<hbm>>
      %dma_start3A_266 = arith.constant 0 : i32
      %dma_start3A_267 = arith.constant 0 : i32
      %dma_start3A_268 = tpu.memref_slice %arg8[%dma_start3A_266, %dma_start3A_267] : memref<50x128xf32, #tpu.memory_space<vmem>> -> memref<50x64xf32, #tpu.memory_space<vmem>>
      tpu.enqueue_dma source(%dma_start3A_268 : memref<50x64xf32, #tpu.memory_space<vmem>>) target(%dma_start3A_265 : memref<50x64xf32, #tpu.memory_space<hbm>>) target_semaphore(%arg24 : memref<!tpu.dma_semaphore, #tpu.memory_space<semaphore_mem>>)
      %lt3A_269 = arith.constant 63 : i32
      %lt3A_270 = arith.cmpi slt, %scan3A_190, %lt3A_269 : i32
      %convert_element_type3A_271 = arith.extui %lt3A_270 : i1 to i32
      %cond3A_272 = arith.constant 0 : i32
      %cond3A_273 = arith.cmpi ne, %convert_element_type3A_271, %cond3A_272 : i32
      scf.if %cond3A_273 {
        %add3A_414 = arith.addi %mul3A_2, %add3A_247 : i32
        %dma_wait3A_415 = arith.constant 0 : i32
        %dma_wait3A_416 = arith.constant 0 : i32
        %dma_wait3A_417 = tpu.memref_slice %arg8[%dma_wait3A_415, %dma_wait3A_416] : memref<50x128xf32, #tpu.memory_space<vmem>> -> memref<50x64xf32, #tpu.memory_space<vmem>>
        %dma_wait3A_418 = arith.constant 0 : i32
        %dma_wait3A_419 = arith.constant 0 : i32
        %dma_wait3A_420 = tpu.memref_slice %arg4[%add3A_414, %dma_wait3A_418, %dma_wait3A_419] : memref<16384x56x128xf32, #tpu.memory_space<hbm>> -> memref<1x50x64xf32, #tpu.memory_space<hbm>>
        %dma_wait3A_421 = tpu.memref_squeeze %dma_wait3A_420 : memref<1x50x64xf32, #tpu.memory_space<hbm>> -> memref<50x64xf32, #tpu.memory_space<hbm>>
        %dma_wait3A_422 = arith.constant 0 : i32
        %dma_wait3A_423 = arith.constant 0 : i32
        %dma_wait3A_424 = tpu.memref_slice %arg4[%add3A_414, %dma_wait3A_422, %dma_wait3A_423] : memref<16384x56x128xf32, #tpu.memory_space<hbm>> -> memref<1x50x64xf32, #tpu.memory_space<hbm>>
        %dma_wait3A_425 = tpu.memref_squeeze %dma_wait3A_424 : memref<1x50x64xf32, #tpu.memory_space<hbm>> -> memref<50x64xf32, #tpu.memory_space<hbm>>
        %dma_wait3A_426 = arith.constant 0 : i32
        %dma_wait3A_427 = arith.constant 0 : i32
        %dma_wait3A_428 = tpu.memref_slice %arg8[%dma_wait3A_426, %dma_wait3A_427] : memref<50x128xf32, #tpu.memory_space<vmem>> -> memref<50x64xf32, #tpu.memory_space<vmem>>
        tpu.wait_dma2 semaphore(%arg24 : memref<!tpu.dma_semaphore, #tpu.memory_space<semaphore_mem>>) src(%dma_wait3A_428 : memref<50x64xf32, #tpu.memory_space<vmem>>) dst(%dma_wait3A_425 : memref<50x64xf32, #tpu.memory_space<hbm>>)
        %add3A_429 = arith.constant 8 : i32
        %add3A_430 = arith.addi %add3A_247, %add3A_429 : i32
        %dma_start3A_431 = arith.constant 0 : i32
        %dma_start3A_432 = tpu.memref_slice %arg5[%add3A_430, %dma_start3A_431] : memref<512x50xi32, #tpu.memory_space<vmem>> -> memref<1x50xi32, #tpu.memory_space<vmem>>
        %dma_start3A_433 = tpu.memref_squeeze %dma_start3A_432 : memref<1x50xi32, #tpu.memory_space<vmem>> -> memref<50xi32, #tpu.memory_space<vmem>>
        %dma_start3A_434 = arith.constant 0 : i32
        %dma_start3A_435 = arith.constant 0 : i32
        %dma_start3A_436 = tpu.memref_slice %arg3[%dma_start3A_434, %dma_start3A_435] : memref<1000000x128xf32, #tpu.memory_space<hbm>> -> memref<1000000x128xf32, #tpu.memory_space<hbm>>
        tpu.enqueue_indirect_dma source(%dma_start3A_436 : memref<1000000x128xf32, #tpu.memory_space<hbm>>) target(%arg8 : memref<50x128xf32, #tpu.memory_space<vmem>>) offsets(%dma_start3A_433 : memref<50xi32, #tpu.memory_space<vmem>>) semaphore(%arg16 : memref<!tpu.dma_semaphore, #tpu.memory_space<semaphore_mem>>)
      } else {
      }
      %add3A_274 = arith.constant 3 : i32
      %add3A_275 = arith.addi %mul3A_192, %add3A_274 : i32
      %dma_wait3A_276 = arith.constant 0 : i32
      %dma_wait3A_277 = tpu.memref_slice %arg5[%add3A_275, %dma_wait3A_276] : memref<512x50xi32, #tpu.memory_space<vmem>> -> memref<1x50xi32, #tpu.memory_space<vmem>>
      %dma_wait3A_278 = tpu.memref_squeeze %dma_wait3A_277 : memref<1x50xi32, #tpu.memory_space<vmem>> -> memref<50xi32, #tpu.memory_space<vmem>>
      %dma_wait3A_279 = arith.constant 0 : i32
      %dma_wait3A_280 = arith.constant 0 : i32
      %dma_wait3A_281 = tpu.memref_slice %arg3[%dma_wait3A_279, %dma_wait3A_280] : memref<1000000x128xf32, #tpu.memory_space<hbm>> -> memref<1000000x128xf32, #tpu.memory_space<hbm>>
      tpu.wait_indirect_dma semaphore(%arg17 : memref<!tpu.dma_semaphore, #tpu.memory_space<semaphore_mem>>) src(%dma_wait3A_281 : memref<1000000x128xf32, #tpu.memory_space<hbm>>) dst(%arg9 : memref<50x128xf32, #tpu.memory_space<vmem>>)
      %add3A_282 = arith.addi %mul3A_2, %add3A_275 : i32
      %dma_start3A_283 = arith.constant 0 : i32
      %dma_start3A_284 = arith.constant 0 : i32
      %dma_start3A_285 = tpu.memref_slice %arg9[%dma_start3A_283, %dma_start3A_284] : memref<50x128xf32, #tpu.memory_space<vmem>> -> memref<50x64xf32, #tpu.memory_space<vmem>>
      %dma_start3A_286 = arith.constant 0 : i32
      %dma_start3A_287 = arith.constant 0 : i32
      %dma_start3A_288 = tpu.memref_slice %arg4[%add3A_282, %dma_start3A_286, %dma_start3A_287] : memref<16384x56x128xf32, #tpu.memory_space<hbm>> -> memref<1x50x64xf32, #tpu.memory_space<hbm>>
      %dma_start3A_289 = tpu.memref_squeeze %dma_start3A_288 : memref<1x50x64xf32, #tpu.memory_space<hbm>> -> memref<50x64xf32, #tpu.memory_space<hbm>>
      %dma_start3A_290 = arith.constant 0 : i32
      %dma_start3A_291 = arith.constant 0 : i32
      %dma_start3A_292 = tpu.memref_slice %arg4[%add3A_282, %dma_start3A_290, %dma_start3A_291] : memref<16384x56x128xf32, #tpu.memory_space<hbm>> -> memref<1x50x64xf32, #tpu.memory_space<hbm>>
      %dma_start3A_293 = tpu.memref_squeeze %dma_start3A_292 : memref<1x50x64xf32, #tpu.memory_space<hbm>> -> memref<50x64xf32, #tpu.memory_space<hbm>>
      %dma_start3A_294 = arith.constant 0 : i32
      %dma_start3A_295 = arith.constant 0 : i32
      %dma_start3A_296 = tpu.memref_slice %arg9[%dma_start3A_294, %dma_start3A_295] : memref<50x128xf32, #tpu.memory_space<vmem>> -> memref<50x64xf32, #tpu.memory_space<vmem>>
      tpu.enqueue_dma source(%dma_start3A_296 : memref<50x64xf32, #tpu.memory_space<vmem>>) target(%dma_start3A_293 : memref<50x64xf32, #tpu.memory_space<hbm>>) target_semaphore(%arg25 : memref<!tpu.dma_semaphore, #tpu.memory_space<semaphore_mem>>)
      %lt3A_297 = arith.constant 63 : i32
      %lt3A_298 = arith.cmpi slt, %scan3A_190, %lt3A_297 : i32
      %convert_element_type3A_299 = arith.extui %lt3A_298 : i1 to i32
      %cond3A_300 = arith.constant 0 : i32
      %cond3A_301 = arith.cmpi ne, %convert_element_type3A_299, %cond3A_300 : i32
      scf.if %cond3A_301 {
        %add3A_414 = arith.addi %mul3A_2, %add3A_275 : i32
        %dma_wait3A_415 = arith.constant 0 : i32
        %dma_wait3A_416 = arith.constant 0 : i32
        %dma_wait3A_417 = tpu.memref_slice %arg9[%dma_wait3A_415, %dma_wait3A_416] : memref<50x128xf32, #tpu.memory_space<vmem>> -> memref<50x64xf32, #tpu.memory_space<vmem>>
        %dma_wait3A_418 = arith.constant 0 : i32
        %dma_wait3A_419 = arith.constant 0 : i32
        %dma_wait3A_420 = tpu.memref_slice %arg4[%add3A_414, %dma_wait3A_418, %dma_wait3A_419] : memref<16384x56x128xf32, #tpu.memory_space<hbm>> -> memref<1x50x64xf32, #tpu.memory_space<hbm>>
        %dma_wait3A_421 = tpu.memref_squeeze %dma_wait3A_420 : memref<1x50x64xf32, #tpu.memory_space<hbm>> -> memref<50x64xf32, #tpu.memory_space<hbm>>
        %dma_wait3A_422 = arith.constant 0 : i32
        %dma_wait3A_423 = arith.constant 0 : i32
        %dma_wait3A_424 = tpu.memref_slice %arg4[%add3A_414, %dma_wait3A_422, %dma_wait3A_423] : memref<16384x56x128xf32, #tpu.memory_space<hbm>> -> memref<1x50x64xf32, #tpu.memory_space<hbm>>
        %dma_wait3A_425 = tpu.memref_squeeze %dma_wait3A_424 : memref<1x50x64xf32, #tpu.memory_space<hbm>> -> memref<50x64xf32, #tpu.memory_space<hbm>>
        %dma_wait3A_426 = arith.constant 0 : i32
        %dma_wait3A_427 = arith.constant 0 : i32
        %dma_wait3A_428 = tpu.memref_slice %arg9[%dma_wait3A_426, %dma_wait3A_427] : memref<50x128xf32, #tpu.memory_space<vmem>> -> memref<50x64xf32, #tpu.memory_space<vmem>>
        tpu.wait_dma2 semaphore(%arg25 : memref<!tpu.dma_semaphore, #tpu.memory_space<semaphore_mem>>) src(%dma_wait3A_428 : memref<50x64xf32, #tpu.memory_space<vmem>>) dst(%dma_wait3A_425 : memref<50x64xf32, #tpu.memory_space<hbm>>)
        %add3A_429 = arith.constant 8 : i32
        %add3A_430 = arith.addi %add3A_275, %add3A_429 : i32
        %dma_start3A_431 = arith.constant 0 : i32
        %dma_start3A_432 = tpu.memref_slice %arg5[%add3A_430, %dma_start3A_431] : memref<512x50xi32, #tpu.memory_space<vmem>> -> memref<1x50xi32, #tpu.memory_space<vmem>>
        %dma_start3A_433 = tpu.memref_squeeze %dma_start3A_432 : memref<1x50xi32, #tpu.memory_space<vmem>> -> memref<50xi32, #tpu.memory_space<vmem>>
        %dma_start3A_434 = arith.constant 0 : i32
        %dma_start3A_435 = arith.constant 0 : i32
        %dma_start3A_436 = tpu.memref_slice %arg3[%dma_start3A_434, %dma_start3A_435] : memref<1000000x128xf32, #tpu.memory_space<hbm>> -> memref<1000000x128xf32, #tpu.memory_space<hbm>>
        tpu.enqueue_indirect_dma source(%dma_start3A_436 : memref<1000000x128xf32, #tpu.memory_space<hbm>>) target(%arg9 : memref<50x128xf32, #tpu.memory_space<vmem>>) offsets(%dma_start3A_433 : memref<50xi32, #tpu.memory_space<vmem>>) semaphore(%arg17 : memref<!tpu.dma_semaphore, #tpu.memory_space<semaphore_mem>>)
      } else {
      }
      %add3A_302 = arith.constant 4 : i32
      %add3A_303 = arith.addi %mul3A_192, %add3A_302 : i32
      %dma_wait3A_304 = arith.constant 0 : i32
      %dma_wait3A_305 = tpu.memref_slice %arg5[%add3A_303, %dma_wait3A_304] : memref<512x50xi32, #tpu.memory_space<vmem>> -> memref<1x50xi32, #tpu.memory_space<vmem>>
      %dma_wait3A_306 = tpu.memref_squeeze %dma_wait3A_305 : memref<1x50xi32, #tpu.memory_space<vmem>> -> memref<50xi32, #tpu.memory_space<vmem>>
      %dma_wait3A_307 = arith.constant 0 : i32
      %dma_wait3A_308 = arith.constant 0 : i32
      %dma_wait3A_309 = tpu.memref_slice %arg3[%dma_wait3A_307, %dma_wait3A_308] : memref<1000000x128xf32, #tpu.memory_space<hbm>> -> memref<1000000x128xf32, #tpu.memory_space<hbm>>
      tpu.wait_indirect_dma semaphore(%arg18 : memref<!tpu.dma_semaphore, #tpu.memory_space<semaphore_mem>>) src(%dma_wait3A_309 : memref<1000000x128xf32, #tpu.memory_space<hbm>>) dst(%arg10 : memref<50x128xf32, #tpu.memory_space<vmem>>)
      %add3A_310 = arith.addi %mul3A_2, %add3A_303 : i32
      %dma_start3A_311 = arith.constant 0 : i32
      %dma_start3A_312 = arith.constant 0 : i32
      %dma_start3A_313 = tpu.memref_slice %arg10[%dma_start3A_311, %dma_start3A_312] : memref<50x128xf32, #tpu.memory_space<vmem>> -> memref<50x64xf32, #tpu.memory_space<vmem>>
      %dma_start3A_314 = arith.constant 0 : i32
      %dma_start3A_315 = arith.constant 0 : i32
      %dma_start3A_316 = tpu.memref_slice %arg4[%add3A_310, %dma_start3A_314, %dma_start3A_315] : memref<16384x56x128xf32, #tpu.memory_space<hbm>> -> memref<1x50x64xf32, #tpu.memory_space<hbm>>
      %dma_start3A_317 = tpu.memref_squeeze %dma_start3A_316 : memref<1x50x64xf32, #tpu.memory_space<hbm>> -> memref<50x64xf32, #tpu.memory_space<hbm>>
      %dma_start3A_318 = arith.constant 0 : i32
      %dma_start3A_319 = arith.constant 0 : i32
      %dma_start3A_320 = tpu.memref_slice %arg4[%add3A_310, %dma_start3A_318, %dma_start3A_319] : memref<16384x56x128xf32, #tpu.memory_space<hbm>> -> memref<1x50x64xf32, #tpu.memory_space<hbm>>
      %dma_start3A_321 = tpu.memref_squeeze %dma_start3A_320 : memref<1x50x64xf32, #tpu.memory_space<hbm>> -> memref<50x64xf32, #tpu.memory_space<hbm>>
      %dma_start3A_322 = arith.constant 0 : i32
      %dma_start3A_323 = arith.constant 0 : i32
      %dma_start3A_324 = tpu.memref_slice %arg10[%dma_start3A_322, %dma_start3A_323] : memref<50x128xf32, #tpu.memory_space<vmem>> -> memref<50x64xf32, #tpu.memory_space<vmem>>
      tpu.enqueue_dma source(%dma_start3A_324 : memref<50x64xf32, #tpu.memory_space<vmem>>) target(%dma_start3A_321 : memref<50x64xf32, #tpu.memory_space<hbm>>) target_semaphore(%arg26 : memref<!tpu.dma_semaphore, #tpu.memory_space<semaphore_mem>>)
      %lt3A_325 = arith.constant 63 : i32
      %lt3A_326 = arith.cmpi slt, %scan3A_190, %lt3A_325 : i32
      %convert_element_type3A_327 = arith.extui %lt3A_326 : i1 to i32
      %cond3A_328 = arith.constant 0 : i32
      %cond3A_329 = arith.cmpi ne, %convert_element_type3A_327, %cond3A_328 : i32
      scf.if %cond3A_329 {
        %add3A_414 = arith.addi %mul3A_2, %add3A_303 : i32
        %dma_wait3A_415 = arith.constant 0 : i32
        %dma_wait3A_416 = arith.constant 0 : i32
        %dma_wait3A_417 = tpu.memref_slice %arg10[%dma_wait3A_415, %dma_wait3A_416] : memref<50x128xf32, #tpu.memory_space<vmem>> -> memref<50x64xf32, #tpu.memory_space<vmem>>
        %dma_wait3A_418 = arith.constant 0 : i32
        %dma_wait3A_419 = arith.constant 0 : i32
        %dma_wait3A_420 = tpu.memref_slice %arg4[%add3A_414, %dma_wait3A_418, %dma_wait3A_419] : memref<16384x56x128xf32, #tpu.memory_space<hbm>> -> memref<1x50x64xf32, #tpu.memory_space<hbm>>
        %dma_wait3A_421 = tpu.memref_squeeze %dma_wait3A_420 : memref<1x50x64xf32, #tpu.memory_space<hbm>> -> memref<50x64xf32, #tpu.memory_space<hbm>>
        %dma_wait3A_422 = arith.constant 0 : i32
        %dma_wait3A_423 = arith.constant 0 : i32
        %dma_wait3A_424 = tpu.memref_slice %arg4[%add3A_414, %dma_wait3A_422, %dma_wait3A_423] : memref<16384x56x128xf32, #tpu.memory_space<hbm>> -> memref<1x50x64xf32, #tpu.memory_space<hbm>>
        %dma_wait3A_425 = tpu.memref_squeeze %dma_wait3A_424 : memref<1x50x64xf32, #tpu.memory_space<hbm>> -> memref<50x64xf32, #tpu.memory_space<hbm>>
        %dma_wait3A_426 = arith.constant 0 : i32
        %dma_wait3A_427 = arith.constant 0 : i32
        %dma_wait3A_428 = tpu.memref_slice %arg10[%dma_wait3A_426, %dma_wait3A_427] : memref<50x128xf32, #tpu.memory_space<vmem>> -> memref<50x64xf32, #tpu.memory_space<vmem>>
        tpu.wait_dma2 semaphore(%arg26 : memref<!tpu.dma_semaphore, #tpu.memory_space<semaphore_mem>>) src(%dma_wait3A_428 : memref<50x64xf32, #tpu.memory_space<vmem>>) dst(%dma_wait3A_425 : memref<50x64xf32, #tpu.memory_space<hbm>>)
        %add3A_429 = arith.constant 8 : i32
        %add3A_430 = arith.addi %add3A_303, %add3A_429 : i32
        %dma_start3A_431 = arith.constant 0 : i32
        %dma_start3A_432 = tpu.memref_slice %arg5[%add3A_430, %dma_start3A_431] : memref<512x50xi32, #tpu.memory_space<vmem>> -> memref<1x50xi32, #tpu.memory_space<vmem>>
        %dma_start3A_433 = tpu.memref_squeeze %dma_start3A_432 : memref<1x50xi32, #tpu.memory_space<vmem>> -> memref<50xi32, #tpu.memory_space<vmem>>
        %dma_start3A_434 = arith.constant 0 : i32
        %dma_start3A_435 = arith.constant 0 : i32
        %dma_start3A_436 = tpu.memref_slice %arg3[%dma_start3A_434, %dma_start3A_435] : memref<1000000x128xf32, #tpu.memory_space<hbm>> -> memref<1000000x128xf32, #tpu.memory_space<hbm>>
        tpu.enqueue_indirect_dma source(%dma_start3A_436 : memref<1000000x128xf32, #tpu.memory_space<hbm>>) target(%arg10 : memref<50x128xf32, #tpu.memory_space<vmem>>) offsets(%dma_start3A_433 : memref<50xi32, #tpu.memory_space<vmem>>) semaphore(%arg18 : memref<!tpu.dma_semaphore, #tpu.memory_space<semaphore_mem>>)
      } else {
      }
      %add3A_330 = arith.constant 5 : i32
      %add3A_331 = arith.addi %mul3A_192, %add3A_330 : i32
      %dma_wait3A_332 = arith.constant 0 : i32
      %dma_wait3A_333 = tpu.memref_slice %arg5[%add3A_331, %dma_wait3A_332] : memref<512x50xi32, #tpu.memory_space<vmem>> -> memref<1x50xi32, #tpu.memory_space<vmem>>
      %dma_wait3A_334 = tpu.memref_squeeze %dma_wait3A_333 : memref<1x50xi32, #tpu.memory_space<vmem>> -> memref<50xi32, #tpu.memory_space<vmem>>
      %dma_wait3A_335 = arith.constant 0 : i32
      %dma_wait3A_336 = arith.constant 0 : i32
      %dma_wait3A_337 = tpu.memref_slice %arg3[%dma_wait3A_335, %dma_wait3A_336] : memref<1000000x128xf32, #tpu.memory_space<hbm>> -> memref<1000000x128xf32, #tpu.memory_space<hbm>>
      tpu.wait_indirect_dma semaphore(%arg19 : memref<!tpu.dma_semaphore, #tpu.memory_space<semaphore_mem>>) src(%dma_wait3A_337 : memref<1000000x128xf32, #tpu.memory_space<hbm>>) dst(%arg11 : memref<50x128xf32, #tpu.memory_space<vmem>>)
      %add3A_338 = arith.addi %mul3A_2, %add3A_331 : i32
      %dma_start3A_339 = arith.constant 0 : i32
      %dma_start3A_340 = arith.constant 0 : i32
      %dma_start3A_341 = tpu.memref_slice %arg11[%dma_start3A_339, %dma_start3A_340] : memref<50x128xf32, #tpu.memory_space<vmem>> -> memref<50x64xf32, #tpu.memory_space<vmem>>
      %dma_start3A_342 = arith.constant 0 : i32
      %dma_start3A_343 = arith.constant 0 : i32
      %dma_start3A_344 = tpu.memref_slice %arg4[%add3A_338, %dma_start3A_342, %dma_start3A_343] : memref<16384x56x128xf32, #tpu.memory_space<hbm>> -> memref<1x50x64xf32, #tpu.memory_space<hbm>>
      %dma_start3A_345 = tpu.memref_squeeze %dma_start3A_344 : memref<1x50x64xf32, #tpu.memory_space<hbm>> -> memref<50x64xf32, #tpu.memory_space<hbm>>
      %dma_start3A_346 = arith.constant 0 : i32
      %dma_start3A_347 = arith.constant 0 : i32
      %dma_start3A_348 = tpu.memref_slice %arg4[%add3A_338, %dma_start3A_346, %dma_start3A_347] : memref<16384x56x128xf32, #tpu.memory_space<hbm>> -> memref<1x50x64xf32, #tpu.memory_space<hbm>>
      %dma_start3A_349 = tpu.memref_squeeze %dma_start3A_348 : memref<1x50x64xf32, #tpu.memory_space<hbm>> -> memref<50x64xf32, #tpu.memory_space<hbm>>
      %dma_start3A_350 = arith.constant 0 : i32
      %dma_start3A_351 = arith.constant 0 : i32
      %dma_start3A_352 = tpu.memref_slice %arg11[%dma_start3A_350, %dma_start3A_351] : memref<50x128xf32, #tpu.memory_space<vmem>> -> memref<50x64xf32, #tpu.memory_space<vmem>>
      tpu.enqueue_dma source(%dma_start3A_352 : memref<50x64xf32, #tpu.memory_space<vmem>>) target(%dma_start3A_349 : memref<50x64xf32, #tpu.memory_space<hbm>>) target_semaphore(%arg27 : memref<!tpu.dma_semaphore, #tpu.memory_space<semaphore_mem>>)
      %lt3A_353 = arith.constant 63 : i32
      %lt3A_354 = arith.cmpi slt, %scan3A_190, %lt3A_353 : i32
      %convert_element_type3A_355 = arith.extui %lt3A_354 : i1 to i32
      %cond3A_356 = arith.constant 0 : i32
      %cond3A_357 = arith.cmpi ne, %convert_element_type3A_355, %cond3A_356 : i32
      scf.if %cond3A_357 {
        %add3A_414 = arith.addi %mul3A_2, %add3A_331 : i32
        %dma_wait3A_415 = arith.constant 0 : i32
        %dma_wait3A_416 = arith.constant 0 : i32
        %dma_wait3A_417 = tpu.memref_slice %arg11[%dma_wait3A_415, %dma_wait3A_416] : memref<50x128xf32, #tpu.memory_space<vmem>> -> memref<50x64xf32, #tpu.memory_space<vmem>>
        %dma_wait3A_418 = arith.constant 0 : i32
        %dma_wait3A_419 = arith.constant 0 : i32
        %dma_wait3A_420 = tpu.memref_slice %arg4[%add3A_414, %dma_wait3A_418, %dma_wait3A_419] : memref<16384x56x128xf32, #tpu.memory_space<hbm>> -> memref<1x50x64xf32, #tpu.memory_space<hbm>>
        %dma_wait3A_421 = tpu.memref_squeeze %dma_wait3A_420 : memref<1x50x64xf32, #tpu.memory_space<hbm>> -> memref<50x64xf32, #tpu.memory_space<hbm>>
        %dma_wait3A_422 = arith.constant 0 : i32
        %dma_wait3A_423 = arith.constant 0 : i32
        %dma_wait3A_424 = tpu.memref_slice %arg4[%add3A_414, %dma_wait3A_422, %dma_wait3A_423] : memref<16384x56x128xf32, #tpu.memory_space<hbm>> -> memref<1x50x64xf32, #tpu.memory_space<hbm>>
        %dma_wait3A_425 = tpu.memref_squeeze %dma_wait3A_424 : memref<1x50x64xf32, #tpu.memory_space<hbm>> -> memref<50x64xf32, #tpu.memory_space<hbm>>
        %dma_wait3A_426 = arith.constant 0 : i32
        %dma_wait3A_427 = arith.constant 0 : i32
        %dma_wait3A_428 = tpu.memref_slice %arg11[%dma_wait3A_426, %dma_wait3A_427] : memref<50x128xf32, #tpu.memory_space<vmem>> -> memref<50x64xf32, #tpu.memory_space<vmem>>
        tpu.wait_dma2 semaphore(%arg27 : memref<!tpu.dma_semaphore, #tpu.memory_space<semaphore_mem>>) src(%dma_wait3A_428 : memref<50x64xf32, #tpu.memory_space<vmem>>) dst(%dma_wait3A_425 : memref<50x64xf32, #tpu.memory_space<hbm>>)
        %add3A_429 = arith.constant 8 : i32
        %add3A_430 = arith.addi %add3A_331, %add3A_429 : i32
        %dma_start3A_431 = arith.constant 0 : i32
        %dma_start3A_432 = tpu.memref_slice %arg5[%add3A_430, %dma_start3A_431] : memref<512x50xi32, #tpu.memory_space<vmem>> -> memref<1x50xi32, #tpu.memory_space<vmem>>
        %dma_start3A_433 = tpu.memref_squeeze %dma_start3A_432 : memref<1x50xi32, #tpu.memory_space<vmem>> -> memref<50xi32, #tpu.memory_space<vmem>>
        %dma_start3A_434 = arith.constant 0 : i32
        %dma_start3A_435 = arith.constant 0 : i32
        %dma_start3A_436 = tpu.memref_slice %arg3[%dma_start3A_434, %dma_start3A_435] : memref<1000000x128xf32, #tpu.memory_space<hbm>> -> memref<1000000x128xf32, #tpu.memory_space<hbm>>
        tpu.enqueue_indirect_dma source(%dma_start3A_436 : memref<1000000x128xf32, #tpu.memory_space<hbm>>) target(%arg11 : memref<50x128xf32, #tpu.memory_space<vmem>>) offsets(%dma_start3A_433 : memref<50xi32, #tpu.memory_space<vmem>>) semaphore(%arg19 : memref<!tpu.dma_semaphore, #tpu.memory_space<semaphore_mem>>)
      } else {
      }
      %add3A_358 = arith.constant 6 : i32
      %add3A_359 = arith.addi %mul3A_192, %add3A_358 : i32
      %dma_wait3A_360 = arith.constant 0 : i32
      %dma_wait3A_361 = tpu.memref_slice %arg5[%add3A_359, %dma_wait3A_360] : memref<512x50xi32, #tpu.memory_space<vmem>> -> memref<1x50xi32, #tpu.memory_space<vmem>>
      %dma_wait3A_362 = tpu.memref_squeeze %dma_wait3A_361 : memref<1x50xi32, #tpu.memory_space<vmem>> -> memref<50xi32, #tpu.memory_space<vmem>>
      %dma_wait3A_363 = arith.constant 0 : i32
      %dma_wait3A_364 = arith.constant 0 : i32
      %dma_wait3A_365 = tpu.memref_slice %arg3[%dma_wait3A_363, %dma_wait3A_364] : memref<1000000x128xf32, #tpu.memory_space<hbm>> -> memref<1000000x128xf32, #tpu.memory_space<hbm>>
      tpu.wait_indirect_dma semaphore(%arg20 : memref<!tpu.dma_semaphore, #tpu.memory_space<semaphore_mem>>) src(%dma_wait3A_365 : memref<1000000x128xf32, #tpu.memory_space<hbm>>) dst(%arg12 : memref<50x128xf32, #tpu.memory_space<vmem>>)
      %add3A_366 = arith.addi %mul3A_2, %add3A_359 : i32
      %dma_start3A_367 = arith.constant 0 : i32
      %dma_start3A_368 = arith.constant 0 : i32
      %dma_start3A_369 = tpu.memref_slice %arg12[%dma_start3A_367, %dma_start3A_368] : memref<50x128xf32, #tpu.memory_space<vmem>> -> memref<50x64xf32, #tpu.memory_space<vmem>>
      %dma_start3A_370 = arith.constant 0 : i32
      %dma_start3A_371 = arith.constant 0 : i32
      %dma_start3A_372 = tpu.memref_slice %arg4[%add3A_366, %dma_start3A_370, %dma_start3A_371] : memref<16384x56x128xf32, #tpu.memory_space<hbm>> -> memref<1x50x64xf32, #tpu.memory_space<hbm>>
      %dma_start3A_373 = tpu.memref_squeeze %dma_start3A_372 : memref<1x50x64xf32, #tpu.memory_space<hbm>> -> memref<50x64xf32, #tpu.memory_space<hbm>>
      %dma_start3A_374 = arith.constant 0 : i32
      %dma_start3A_375 = arith.constant 0 : i32
      %dma_start3A_376 = tpu.memref_slice %arg4[%add3A_366, %dma_start3A_374, %dma_start3A_375] : memref<16384x56x128xf32, #tpu.memory_space<hbm>> -> memref<1x50x64xf32, #tpu.memory_space<hbm>>
      %dma_start3A_377 = tpu.memref_squeeze %dma_start3A_376 : memref<1x50x64xf32, #tpu.memory_space<hbm>> -> memref<50x64xf32, #tpu.memory_space<hbm>>
      %dma_start3A_378 = arith.constant 0 : i32
      %dma_start3A_379 = arith.constant 0 : i32
      %dma_start3A_380 = tpu.memref_slice %arg12[%dma_start3A_378, %dma_start3A_379] : memref<50x128xf32, #tpu.memory_space<vmem>> -> memref<50x64xf32, #tpu.memory_space<vmem>>
      tpu.enqueue_dma source(%dma_start3A_380 : memref<50x64xf32, #tpu.memory_space<vmem>>) target(%dma_start3A_377 : memref<50x64xf32, #tpu.memory_space<hbm>>) target_semaphore(%arg28 : memref<!tpu.dma_semaphore, #tpu.memory_space<semaphore_mem>>)
      %lt3A_381 = arith.constant 63 : i32
      %lt3A_382 = arith.cmpi slt, %scan3A_190, %lt3A_381 : i32
      %convert_element_type3A_383 = arith.extui %lt3A_382 : i1 to i32
      %cond3A_384 = arith.constant 0 : i32
      %cond3A_385 = arith.cmpi ne, %convert_element_type3A_383, %cond3A_384 : i32
      scf.if %cond3A_385 {
        %add3A_414 = arith.addi %mul3A_2, %add3A_359 : i32
        %dma_wait3A_415 = arith.constant 0 : i32
        %dma_wait3A_416 = arith.constant 0 : i32
        %dma_wait3A_417 = tpu.memref_slice %arg12[%dma_wait3A_415, %dma_wait3A_416] : memref<50x128xf32, #tpu.memory_space<vmem>> -> memref<50x64xf32, #tpu.memory_space<vmem>>
        %dma_wait3A_418 = arith.constant 0 : i32
        %dma_wait3A_419 = arith.constant 0 : i32
        %dma_wait3A_420 = tpu.memref_slice %arg4[%add3A_414, %dma_wait3A_418, %dma_wait3A_419] : memref<16384x56x128xf32, #tpu.memory_space<hbm>> -> memref<1x50x64xf32, #tpu.memory_space<hbm>>
        %dma_wait3A_421 = tpu.memref_squeeze %dma_wait3A_420 : memref<1x50x64xf32, #tpu.memory_space<hbm>> -> memref<50x64xf32, #tpu.memory_space<hbm>>
        %dma_wait3A_422 = arith.constant 0 : i32
        %dma_wait3A_423 = arith.constant 0 : i32
        %dma_wait3A_424 = tpu.memref_slice %arg4[%add3A_414, %dma_wait3A_422, %dma_wait3A_423] : memref<16384x56x128xf32, #tpu.memory_space<hbm>> -> memref<1x50x64xf32, #tpu.memory_space<hbm>>
        %dma_wait3A_425 = tpu.memref_squeeze %dma_wait3A_424 : memref<1x50x64xf32, #tpu.memory_space<hbm>> -> memref<50x64xf32, #tpu.memory_space<hbm>>
        %dma_wait3A_426 = arith.constant 0 : i32
        %dma_wait3A_427 = arith.constant 0 : i32
        %dma_wait3A_428 = tpu.memref_slice %arg12[%dma_wait3A_426, %dma_wait3A_427] : memref<50x128xf32, #tpu.memory_space<vmem>> -> memref<50x64xf32, #tpu.memory_space<vmem>>
        tpu.wait_dma2 semaphore(%arg28 : memref<!tpu.dma_semaphore, #tpu.memory_space<semaphore_mem>>) src(%dma_wait3A_428 : memref<50x64xf32, #tpu.memory_space<vmem>>) dst(%dma_wait3A_425 : memref<50x64xf32, #tpu.memory_space<hbm>>)
        %add3A_429 = arith.constant 8 : i32
        %add3A_430 = arith.addi %add3A_359, %add3A_429 : i32
        %dma_start3A_431 = arith.constant 0 : i32
        %dma_start3A_432 = tpu.memref_slice %arg5[%add3A_430, %dma_start3A_431] : memref<512x50xi32, #tpu.memory_space<vmem>> -> memref<1x50xi32, #tpu.memory_space<vmem>>
        %dma_start3A_433 = tpu.memref_squeeze %dma_start3A_432 : memref<1x50xi32, #tpu.memory_space<vmem>> -> memref<50xi32, #tpu.memory_space<vmem>>
        %dma_start3A_434 = arith.constant 0 : i32
        %dma_start3A_435 = arith.constant 0 : i32
        %dma_start3A_436 = tpu.memref_slice %arg3[%dma_start3A_434, %dma_start3A_435] : memref<1000000x128xf32, #tpu.memory_space<hbm>> -> memref<1000000x128xf32, #tpu.memory_space<hbm>>
        tpu.enqueue_indirect_dma source(%dma_start3A_436 : memref<1000000x128xf32, #tpu.memory_space<hbm>>) target(%arg12 : memref<50x128xf32, #tpu.memory_space<vmem>>) offsets(%dma_start3A_433 : memref<50xi32, #tpu.memory_space<vmem>>) semaphore(%arg20 : memref<!tpu.dma_semaphore, #tpu.memory_space<semaphore_mem>>)
      } else {
      }
      %add3A_386 = arith.constant 7 : i32
      %add3A_387 = arith.addi %mul3A_192, %add3A_386 : i32
      %dma_wait3A_388 = arith.constant 0 : i32
      %dma_wait3A_389 = tpu.memref_slice %arg5[%add3A_387, %dma_wait3A_388] : memref<512x50xi32, #tpu.memory_space<vmem>> -> memref<1x50xi32, #tpu.memory_space<vmem>>
      %dma_wait3A_390 = tpu.memref_squeeze %dma_wait3A_389 : memref<1x50xi32, #tpu.memory_space<vmem>> -> memref<50xi32, #tpu.memory_space<vmem>>
      %dma_wait3A_391 = arith.constant 0 : i32
      %dma_wait3A_392 = arith.constant 0 : i32
      %dma_wait3A_393 = tpu.memref_slice %arg3[%dma_wait3A_391, %dma_wait3A_392] : memref<1000000x128xf32, #tpu.memory_space<hbm>> -> memref<1000000x128xf32, #tpu.memory_space<hbm>>
      tpu.wait_indirect_dma semaphore(%arg21 : memref<!tpu.dma_semaphore, #tpu.memory_space<semaphore_mem>>) src(%dma_wait3A_393 : memref<1000000x128xf32, #tpu.memory_space<hbm>>) dst(%arg13 : memref<50x128xf32, #tpu.memory_space<vmem>>)
      %add3A_394 = arith.addi %mul3A_2, %add3A_387 : i32
      %dma_start3A_395 = arith.constant 0 : i32
      %dma_start3A_396 = arith.constant 0 : i32
      %dma_start3A_397 = tpu.memref_slice %arg13[%dma_start3A_395, %dma_start3A_396] : memref<50x128xf32, #tpu.memory_space<vmem>> -> memref<50x64xf32, #tpu.memory_space<vmem>>
      %dma_start3A_398 = arith.constant 0 : i32
      %dma_start3A_399 = arith.constant 0 : i32
      %dma_start3A_400 = tpu.memref_slice %arg4[%add3A_394, %dma_start3A_398, %dma_start3A_399] : memref<16384x56x128xf32, #tpu.memory_space<hbm>> -> memref<1x50x64xf32, #tpu.memory_space<hbm>>
      %dma_start3A_401 = tpu.memref_squeeze %dma_start3A_400 : memref<1x50x64xf32, #tpu.memory_space<hbm>> -> memref<50x64xf32, #tpu.memory_space<hbm>>
      %dma_start3A_402 = arith.constant 0 : i32
      %dma_start3A_403 = arith.constant 0 : i32
      %dma_start3A_404 = tpu.memref_slice %arg4[%add3A_394, %dma_start3A_402, %dma_start3A_403] : memref<16384x56x128xf32, #tpu.memory_space<hbm>> -> memref<1x50x64xf32, #tpu.memory_space<hbm>>
      %dma_start3A_405 = tpu.memref_squeeze %dma_start3A_404 : memref<1x50x64xf32, #tpu.memory_space<hbm>> -> memref<50x64xf32, #tpu.memory_space<hbm>>
      %dma_start3A_406 = arith.constant 0 : i32
      %dma_start3A_407 = arith.constant 0 : i32
      %dma_start3A_408 = tpu.memref_slice %arg13[%dma_start3A_406, %dma_start3A_407] : memref<50x128xf32, #tpu.memory_space<vmem>> -> memref<50x64xf32, #tpu.memory_space<vmem>>
      tpu.enqueue_dma source(%dma_start3A_408 : memref<50x64xf32, #tpu.memory_space<vmem>>) target(%dma_start3A_405 : memref<50x64xf32, #tpu.memory_space<hbm>>) target_semaphore(%arg29 : memref<!tpu.dma_semaphore, #tpu.memory_space<semaphore_mem>>)
      %lt3A_409 = arith.constant 63 : i32
      %lt3A_410 = arith.cmpi slt, %scan3A_190, %lt3A_409 : i32
      %convert_element_type3A_411 = arith.extui %lt3A_410 : i1 to i32
      %cond3A_412 = arith.constant 0 : i32
      %cond3A_413 = arith.cmpi ne, %convert_element_type3A_411, %cond3A_412 : i32
      scf.if %cond3A_413 {
        %add3A_414 = arith.addi %mul3A_2, %add3A_387 : i32
        %dma_wait3A_415 = arith.constant 0 : i32
        %dma_wait3A_416 = arith.constant 0 : i32
        %dma_wait3A_417 = tpu.memref_slice %arg13[%dma_wait3A_415, %dma_wait3A_416] : memref<50x128xf32, #tpu.memory_space<vmem>> -> memref<50x64xf32, #tpu.memory_space<vmem>>
        %dma_wait3A_418 = arith.constant 0 : i32
        %dma_wait3A_419 = arith.constant 0 : i32
        %dma_wait3A_420 = tpu.memref_slice %arg4[%add3A_414, %dma_wait3A_418, %dma_wait3A_419] : memref<16384x56x128xf32, #tpu.memory_space<hbm>> -> memref<1x50x64xf32, #tpu.memory_space<hbm>>
        %dma_wait3A_421 = tpu.memref_squeeze %dma_wait3A_420 : memref<1x50x64xf32, #tpu.memory_space<hbm>> -> memref<50x64xf32, #tpu.memory_space<hbm>>
        %dma_wait3A_422 = arith.constant 0 : i32
        %dma_wait3A_423 = arith.constant 0 : i32
        %dma_wait3A_424 = tpu.memref_slice %arg4[%add3A_414, %dma_wait3A_422, %dma_wait3A_423] : memref<16384x56x128xf32, #tpu.memory_space<hbm>> -> memref<1x50x64xf32, #tpu.memory_space<hbm>>
        %dma_wait3A_425 = tpu.memref_squeeze %dma_wait3A_424 : memref<1x50x64xf32, #tpu.memory_space<hbm>> -> memref<50x64xf32, #tpu.memory_space<hbm>>
        %dma_wait3A_426 = arith.constant 0 : i32
        %dma_wait3A_427 = arith.constant 0 : i32
        %dma_wait3A_428 = tpu.memref_slice %arg13[%dma_wait3A_426, %dma_wait3A_427] : memref<50x128xf32, #tpu.memory_space<vmem>> -> memref<50x64xf32, #tpu.memory_space<vmem>>
        tpu.wait_dma2 semaphore(%arg29 : memref<!tpu.dma_semaphore, #tpu.memory_space<semaphore_mem>>) src(%dma_wait3A_428 : memref<50x64xf32, #tpu.memory_space<vmem>>) dst(%dma_wait3A_425 : memref<50x64xf32, #tpu.memory_space<hbm>>)
        %add3A_429 = arith.constant 8 : i32
        %add3A_430 = arith.addi %add3A_387, %add3A_429 : i32
        %dma_start3A_431 = arith.constant 0 : i32
        %dma_start3A_432 = tpu.memref_slice %arg5[%add3A_430, %dma_start3A_431] : memref<512x50xi32, #tpu.memory_space<vmem>> -> memref<1x50xi32, #tpu.memory_space<vmem>>
        %dma_start3A_433 = tpu.memref_squeeze %dma_start3A_432 : memref<1x50xi32, #tpu.memory_space<vmem>> -> memref<50xi32, #tpu.memory_space<vmem>>
        %dma_start3A_434 = arith.constant 0 : i32
        %dma_start3A_435 = arith.constant 0 : i32
        %dma_start3A_436 = tpu.memref_slice %arg3[%dma_start3A_434, %dma_start3A_435] : memref<1000000x128xf32, #tpu.memory_space<hbm>> -> memref<1000000x128xf32, #tpu.memory_space<hbm>>
        tpu.enqueue_indirect_dma source(%dma_start3A_436 : memref<1000000x128xf32, #tpu.memory_space<hbm>>) target(%arg13 : memref<50x128xf32, #tpu.memory_space<vmem>>) offsets(%dma_start3A_433 : memref<50xi32, #tpu.memory_space<vmem>>) semaphore(%arg21 : memref<!tpu.dma_semaphore, #tpu.memory_space<semaphore_mem>>)
      } else {
      }
    }
    %scan3A_62 = arith.constant 64 : i32
    %add3A_63 = arith.constant 504 : i32
    %add3A_64 = arith.addi %mul3A_2, %add3A_63 : i32
    %dma_wait3A = arith.constant 0 : i32
    %dma_wait3A_65 = arith.constant 0 : i32
    %dma_wait3A_66 = tpu.memref_slice %arg6[%dma_wait3A, %dma_wait3A_65] : memref<50x128xf32, #tpu.memory_space<vmem>> -> memref<50x64xf32, #tpu.memory_space<vmem>>
    %dma_wait3A_67 = arith.constant 0 : i32
    %dma_wait3A_68 = arith.constant 0 : i32
    %dma_wait3A_69 = tpu.memref_slice %arg4[%add3A_64, %dma_wait3A_67, %dma_wait3A_68] : memref<16384x56x128xf32, #tpu.memory_space<hbm>> -> memref<1x50x64xf32, #tpu.memory_space<hbm>>
    %dma_wait3A_70 = tpu.memref_squeeze %dma_wait3A_69 : memref<1x50x64xf32, #tpu.memory_space<hbm>> -> memref<50x64xf32, #tpu.memory_space<hbm>>
    %dma_wait3A_71 = arith.constant 0 : i32
    %dma_wait3A_72 = arith.constant 0 : i32
    %dma_wait3A_73 = tpu.memref_slice %arg4[%add3A_64, %dma_wait3A_71, %dma_wait3A_72] : memref<16384x56x128xf32, #tpu.memory_space<hbm>> -> memref<1x50x64xf32, #tpu.memory_space<hbm>>
    %dma_wait3A_74 = tpu.memref_squeeze %dma_wait3A_73 : memref<1x50x64xf32, #tpu.memory_space<hbm>> -> memref<50x64xf32, #tpu.memory_space<hbm>>
    %dma_wait3A_75 = arith.constant 0 : i32
    %dma_wait3A_76 = arith.constant 0 : i32
    %dma_wait3A_77 = tpu.memref_slice %arg6[%dma_wait3A_75, %dma_wait3A_76] : memref<50x128xf32, #tpu.memory_space<vmem>> -> memref<50x64xf32, #tpu.memory_space<vmem>>
    tpu.wait_dma2 semaphore(%arg22 : memref<!tpu.dma_semaphore, #tpu.memory_space<semaphore_mem>>) src(%dma_wait3A_77 : memref<50x64xf32, #tpu.memory_space<vmem>>) dst(%dma_wait3A_74 : memref<50x64xf32, #tpu.memory_space<hbm>>)
    %add3A_78 = arith.constant 505 : i32
    %add3A_79 = arith.addi %mul3A_2, %add3A_78 : i32
    %dma_wait3A_80 = arith.constant 0 : i32
    %dma_wait3A_81 = arith.constant 0 : i32
    %dma_wait3A_82 = tpu.memref_slice %arg7[%dma_wait3A_80, %dma_wait3A_81] : memref<50x128xf32, #tpu.memory_space<vmem>> -> memref<50x64xf32, #tpu.memory_space<vmem>>
    %dma_wait3A_83 = arith.constant 0 : i32
    %dma_wait3A_84 = arith.constant 0 : i32
    %dma_wait3A_85 = tpu.memref_slice %arg4[%add3A_79, %dma_wait3A_83, %dma_wait3A_84] : memref<16384x56x128xf32, #tpu.memory_space<hbm>> -> memref<1x50x64xf32, #tpu.memory_space<hbm>>
    %dma_wait3A_86 = tpu.memref_squeeze %dma_wait3A_85 : memref<1x50x64xf32, #tpu.memory_space<hbm>> -> memref<50x64xf32, #tpu.memory_space<hbm>>
    %dma_wait3A_87 = arith.constant 0 : i32
    %dma_wait3A_88 = arith.constant 0 : i32
    %dma_wait3A_89 = tpu.memref_slice %arg4[%add3A_79, %dma_wait3A_87, %dma_wait3A_88] : memref<16384x56x128xf32, #tpu.memory_space<hbm>> -> memref<1x50x64xf32, #tpu.memory_space<hbm>>
    %dma_wait3A_90 = tpu.memref_squeeze %dma_wait3A_89 : memref<1x50x64xf32, #tpu.memory_space<hbm>> -> memref<50x64xf32, #tpu.memory_space<hbm>>
    %dma_wait3A_91 = arith.constant 0 : i32
    %dma_wait3A_92 = arith.constant 0 : i32
    %dma_wait3A_93 = tpu.memref_slice %arg7[%dma_wait3A_91, %dma_wait3A_92] : memref<50x128xf32, #tpu.memory_space<vmem>> -> memref<50x64xf32, #tpu.memory_space<vmem>>
    tpu.wait_dma2 semaphore(%arg23 : memref<!tpu.dma_semaphore, #tpu.memory_space<semaphore_mem>>) src(%dma_wait3A_93 : memref<50x64xf32, #tpu.memory_space<vmem>>) dst(%dma_wait3A_90 : memref<50x64xf32, #tpu.memory_space<hbm>>)
    %add3A_94 = arith.constant 506 : i32
    %add3A_95 = arith.addi %mul3A_2, %add3A_94 : i32
    %dma_wait3A_96 = arith.constant 0 : i32
    %dma_wait3A_97 = arith.constant 0 : i32
    %dma_wait3A_98 = tpu.memref_slice %arg8[%dma_wait3A_96, %dma_wait3A_97] : memref<50x128xf32, #tpu.memory_space<vmem>> -> memref<50x64xf32, #tpu.memory_space<vmem>>
    %dma_wait3A_99 = arith.constant 0 : i32
    %dma_wait3A_100 = arith.constant 0 : i32
    %dma_wait3A_101 = tpu.memref_slice %arg4[%add3A_95, %dma_wait3A_99, %dma_wait3A_100] : memref<16384x56x128xf32, #tpu.memory_space<hbm>> -> memref<1x50x64xf32, #tpu.memory_space<hbm>>
    %dma_wait3A_102 = tpu.memref_squeeze %dma_wait3A_101 : memref<1x50x64xf32, #tpu.memory_space<hbm>> -> memref<50x64xf32, #tpu.memory_space<hbm>>
    %dma_wait3A_103 = arith.constant 0 : i32
    %dma_wait3A_104 = arith.constant 0 : i32
    %dma_wait3A_105 = tpu.memref_slice %arg4[%add3A_95, %dma_wait3A_103, %dma_wait3A_104] : memref<16384x56x128xf32, #tpu.memory_space<hbm>> -> memref<1x50x64xf32, #tpu.memory_space<hbm>>
    %dma_wait3A_106 = tpu.memref_squeeze %dma_wait3A_105 : memref<1x50x64xf32, #tpu.memory_space<hbm>> -> memref<50x64xf32, #tpu.memory_space<hbm>>
    %dma_wait3A_107 = arith.constant 0 : i32
    %dma_wait3A_108 = arith.constant 0 : i32
    %dma_wait3A_109 = tpu.memref_slice %arg8[%dma_wait3A_107, %dma_wait3A_108] : memref<50x128xf32, #tpu.memory_space<vmem>> -> memref<50x64xf32, #tpu.memory_space<vmem>>
    tpu.wait_dma2 semaphore(%arg24 : memref<!tpu.dma_semaphore, #tpu.memory_space<semaphore_mem>>) src(%dma_wait3A_109 : memref<50x64xf32, #tpu.memory_space<vmem>>) dst(%dma_wait3A_106 : memref<50x64xf32, #tpu.memory_space<hbm>>)
    %add3A_110 = arith.constant 507 : i32
    %add3A_111 = arith.addi %mul3A_2, %add3A_110 : i32
    %dma_wait3A_112 = arith.constant 0 : i32
    %dma_wait3A_113 = arith.constant 0 : i32
    %dma_wait3A_114 = tpu.memref_slice %arg9[%dma_wait3A_112, %dma_wait3A_113] : memref<50x128xf32, #tpu.memory_space<vmem>> -> memref<50x64xf32, #tpu.memory_space<vmem>>
    %dma_wait3A_115 = arith.constant 0 : i32
    %dma_wait3A_116 = arith.constant 0 : i32
    %dma_wait3A_117 = tpu.memref_slice %arg4[%add3A_111, %dma_wait3A_115, %dma_wait3A_116] : memref<16384x56x128xf32, #tpu.memory_space<hbm>> -> memref<1x50x64xf32, #tpu.memory_space<hbm>>
    %dma_wait3A_118 = tpu.memref_squeeze %dma_wait3A_117 : memref<1x50x64xf32, #tpu.memory_space<hbm>> -> memref<50x64xf32, #tpu.memory_space<hbm>>
    %dma_wait3A_119 = arith.constant 0 : i32
    %dma_wait3A_120 = arith.constant 0 : i32
    %dma_wait3A_121 = tpu.memref_slice %arg4[%add3A_111, %dma_wait3A_119, %dma_wait3A_120] : memref<16384x56x128xf32, #tpu.memory_space<hbm>> -> memref<1x50x64xf32, #tpu.memory_space<hbm>>
    %dma_wait3A_122 = tpu.memref_squeeze %dma_wait3A_121 : memref<1x50x64xf32, #tpu.memory_space<hbm>> -> memref<50x64xf32, #tpu.memory_space<hbm>>
    %dma_wait3A_123 = arith.constant 0 : i32
    %dma_wait3A_124 = arith.constant 0 : i32
    %dma_wait3A_125 = tpu.memref_slice %arg9[%dma_wait3A_123, %dma_wait3A_124] : memref<50x128xf32, #tpu.memory_space<vmem>> -> memref<50x64xf32, #tpu.memory_space<vmem>>
    tpu.wait_dma2 semaphore(%arg25 : memref<!tpu.dma_semaphore, #tpu.memory_space<semaphore_mem>>) src(%dma_wait3A_125 : memref<50x64xf32, #tpu.memory_space<vmem>>) dst(%dma_wait3A_122 : memref<50x64xf32, #tpu.memory_space<hbm>>)
    %add3A_126 = arith.constant 508 : i32
    %add3A_127 = arith.addi %mul3A_2, %add3A_126 : i32
    %dma_wait3A_128 = arith.constant 0 : i32
    %dma_wait3A_129 = arith.constant 0 : i32
    %dma_wait3A_130 = tpu.memref_slice %arg10[%dma_wait3A_128, %dma_wait3A_129] : memref<50x128xf32, #tpu.memory_space<vmem>> -> memref<50x64xf32, #tpu.memory_space<vmem>>
    %dma_wait3A_131 = arith.constant 0 : i32
    %dma_wait3A_132 = arith.constant 0 : i32
    %dma_wait3A_133 = tpu.memref_slice %arg4[%add3A_127, %dma_wait3A_131, %dma_wait3A_132] : memref<16384x56x128xf32, #tpu.memory_space<hbm>> -> memref<1x50x64xf32, #tpu.memory_space<hbm>>
    %dma_wait3A_134 = tpu.memref_squeeze %dma_wait3A_133 : memref<1x50x64xf32, #tpu.memory_space<hbm>> -> memref<50x64xf32, #tpu.memory_space<hbm>>
    %dma_wait3A_135 = arith.constant 0 : i32
    %dma_wait3A_136 = arith.constant 0 : i32
    %dma_wait3A_137 = tpu.memref_slice %arg4[%add3A_127, %dma_wait3A_135, %dma_wait3A_136] : memref<16384x56x128xf32, #tpu.memory_space<hbm>> -> memref<1x50x64xf32, #tpu.memory_space<hbm>>
    %dma_wait3A_138 = tpu.memref_squeeze %dma_wait3A_137 : memref<1x50x64xf32, #tpu.memory_space<hbm>> -> memref<50x64xf32, #tpu.memory_space<hbm>>
    %dma_wait3A_139 = arith.constant 0 : i32
    %dma_wait3A_140 = arith.constant 0 : i32
    %dma_wait3A_141 = tpu.memref_slice %arg10[%dma_wait3A_139, %dma_wait3A_140] : memref<50x128xf32, #tpu.memory_space<vmem>> -> memref<50x64xf32, #tpu.memory_space<vmem>>
    tpu.wait_dma2 semaphore(%arg26 : memref<!tpu.dma_semaphore, #tpu.memory_space<semaphore_mem>>) src(%dma_wait3A_141 : memref<50x64xf32, #tpu.memory_space<vmem>>) dst(%dma_wait3A_138 : memref<50x64xf32, #tpu.memory_space<hbm>>)
    %add3A_142 = arith.constant 509 : i32
    %add3A_143 = arith.addi %mul3A_2, %add3A_142 : i32
    %dma_wait3A_144 = arith.constant 0 : i32
    %dma_wait3A_145 = arith.constant 0 : i32
    %dma_wait3A_146 = tpu.memref_slice %arg11[%dma_wait3A_144, %dma_wait3A_145] : memref<50x128xf32, #tpu.memory_space<vmem>> -> memref<50x64xf32, #tpu.memory_space<vmem>>
    %dma_wait3A_147 = arith.constant 0 : i32
    %dma_wait3A_148 = arith.constant 0 : i32
    %dma_wait3A_149 = tpu.memref_slice %arg4[%add3A_143, %dma_wait3A_147, %dma_wait3A_148] : memref<16384x56x128xf32, #tpu.memory_space<hbm>> -> memref<1x50x64xf32, #tpu.memory_space<hbm>>
    %dma_wait3A_150 = tpu.memref_squeeze %dma_wait3A_149 : memref<1x50x64xf32, #tpu.memory_space<hbm>> -> memref<50x64xf32, #tpu.memory_space<hbm>>
    %dma_wait3A_151 = arith.constant 0 : i32
    %dma_wait3A_152 = arith.constant 0 : i32
    %dma_wait3A_153 = tpu.memref_slice %arg4[%add3A_143, %dma_wait3A_151, %dma_wait3A_152] : memref<16384x56x128xf32, #tpu.memory_space<hbm>> -> memref<1x50x64xf32, #tpu.memory_space<hbm>>
    %dma_wait3A_154 = tpu.memref_squeeze %dma_wait3A_153 : memref<1x50x64xf32, #tpu.memory_space<hbm>> -> memref<50x64xf32, #tpu.memory_space<hbm>>
    %dma_wait3A_155 = arith.constant 0 : i32
    %dma_wait3A_156 = arith.constant 0 : i32
    %dma_wait3A_157 = tpu.memref_slice %arg11[%dma_wait3A_155, %dma_wait3A_156] : memref<50x128xf32, #tpu.memory_space<vmem>> -> memref<50x64xf32, #tpu.memory_space<vmem>>
    tpu.wait_dma2 semaphore(%arg27 : memref<!tpu.dma_semaphore, #tpu.memory_space<semaphore_mem>>) src(%dma_wait3A_157 : memref<50x64xf32, #tpu.memory_space<vmem>>) dst(%dma_wait3A_154 : memref<50x64xf32, #tpu.memory_space<hbm>>)
    %add3A_158 = arith.constant 510 : i32
    %add3A_159 = arith.addi %mul3A_2, %add3A_158 : i32
    %dma_wait3A_160 = arith.constant 0 : i32
    %dma_wait3A_161 = arith.constant 0 : i32
    %dma_wait3A_162 = tpu.memref_slice %arg12[%dma_wait3A_160, %dma_wait3A_161] : memref<50x128xf32, #tpu.memory_space<vmem>> -> memref<50x64xf32, #tpu.memory_space<vmem>>
    %dma_wait3A_163 = arith.constant 0 : i32
    %dma_wait3A_164 = arith.constant 0 : i32
    %dma_wait3A_165 = tpu.memref_slice %arg4[%add3A_159, %dma_wait3A_163, %dma_wait3A_164] : memref<16384x56x128xf32, #tpu.memory_space<hbm>> -> memref<1x50x64xf32, #tpu.memory_space<hbm>>
    %dma_wait3A_166 = tpu.memref_squeeze %dma_wait3A_165 : memref<1x50x64xf32, #tpu.memory_space<hbm>> -> memref<50x64xf32, #tpu.memory_space<hbm>>
    %dma_wait3A_167 = arith.constant 0 : i32
    %dma_wait3A_168 = arith.constant 0 : i32
    %dma_wait3A_169 = tpu.memref_slice %arg4[%add3A_159, %dma_wait3A_167, %dma_wait3A_168] : memref<16384x56x128xf32, #tpu.memory_space<hbm>> -> memref<1x50x64xf32, #tpu.memory_space<hbm>>
    %dma_wait3A_170 = tpu.memref_squeeze %dma_wait3A_169 : memref<1x50x64xf32, #tpu.memory_space<hbm>> -> memref<50x64xf32, #tpu.memory_space<hbm>>
    %dma_wait3A_171 = arith.constant 0 : i32
    %dma_wait3A_172 = arith.constant 0 : i32
    %dma_wait3A_173 = tpu.memref_slice %arg12[%dma_wait3A_171, %dma_wait3A_172] : memref<50x128xf32, #tpu.memory_space<vmem>> -> memref<50x64xf32, #tpu.memory_space<vmem>>
    tpu.wait_dma2 semaphore(%arg28 : memref<!tpu.dma_semaphore, #tpu.memory_space<semaphore_mem>>) src(%dma_wait3A_173 : memref<50x64xf32, #tpu.memory_space<vmem>>) dst(%dma_wait3A_170 : memref<50x64xf32, #tpu.memory_space<hbm>>)
    %add3A_174 = arith.constant 511 : i32
    %add3A_175 = arith.addi %mul3A_2, %add3A_174 : i32
    %dma_wait3A_176 = arith.constant 0 : i32
    %dma_wait3A_177 = arith.constant 0 : i32
    %dma_wait3A_178 = tpu.memref_slice %arg13[%dma_wait3A_176, %dma_wait3A_177] : memref<50x128xf32, #tpu.memory_space<vmem>> -> memref<50x64xf32, #tpu.memory_space<vmem>>
    %dma_wait3A_179 = arith.constant 0 : i32
    %dma_wait3A_180 = arith.constant 0 : i32
    %dma_wait3A_181 = tpu.memref_slice %arg4[%add3A_175, %dma_wait3A_179, %dma_wait3A_180] : memref<16384x56x128xf32, #tpu.memory_space<hbm>> -> memref<1x50x64xf32, #tpu.memory_space<hbm>>
    %dma_wait3A_182 = tpu.memref_squeeze %dma_wait3A_181 : memref<1x50x64xf32, #tpu.memory_space<hbm>> -> memref<50x64xf32, #tpu.memory_space<hbm>>
    %dma_wait3A_183 = arith.constant 0 : i32
    %dma_wait3A_184 = arith.constant 0 : i32
    %dma_wait3A_185 = tpu.memref_slice %arg4[%add3A_175, %dma_wait3A_183, %dma_wait3A_184] : memref<16384x56x128xf32, #tpu.memory_space<hbm>> -> memref<1x50x64xf32, #tpu.memory_space<hbm>>
    %dma_wait3A_186 = tpu.memref_squeeze %dma_wait3A_185 : memref<1x50x64xf32, #tpu.memory_space<hbm>> -> memref<50x64xf32, #tpu.memory_space<hbm>>
    %dma_wait3A_187 = arith.constant 0 : i32
    %dma_wait3A_188 = arith.constant 0 : i32
    %dma_wait3A_189 = tpu.memref_slice %arg13[%dma_wait3A_187, %dma_wait3A_188] : memref<50x128xf32, #tpu.memory_space<vmem>> -> memref<50x64xf32, #tpu.memory_space<vmem>>
    tpu.wait_dma2 semaphore(%arg29 : memref<!tpu.dma_semaphore, #tpu.memory_space<semaphore_mem>>) src(%dma_wait3A_189 : memref<50x64xf32, #tpu.memory_space<vmem>>) dst(%dma_wait3A_186 : memref<50x64xf32, #tpu.memory_space<hbm>>)
    return
  }
}

</mosaic_0001>

<sc_bundles>
// kernel: kernel.3.cloned.1.call-start
scs
__scs_entry_jumppad:
0x0: {  	(pc) =	sbr.rel $0x88, $3  }
0x1: {  	(tag) =	ssettag $0x0;
	lr =	simm.s32 $0x1  }
0x2: {  	[smem:$0x3F9F] =	sst lr;
	_ =	strace $0xD0000000  }
0x3: {  	_ = 	snop  }
0x4: {  	_ = 	snop  }
0x5: {  	_ = 	snop  }
0x6: {  	_ = 	snop  }
0x7: {  	_ = 	snop  }
__scs_overlays_trampoline_lowered:
0x8: {  	[smem:$0x3FAE] =	sst s0  }
0x9: {  	[smem:$0x3FAF] =	sst s1  }
0xa: {  	[smem:$0x3FB0] =	sst s2  }
0xb: {  	[smem:$0x3FB1] =	sst s3  }
0xc: {  	[smem:$0x3FB2] =	sst s4  }
0xd: {  	[smem:$0x3FB3] =	sst s5  }
0xe: {  	[smem:$0x3FB4] =	sst s6  }
0xf: {  	[smem:$0x3FB5] =	sst s7  }
0x10: {  	[smem:$0x3FB6] =	sst s8  }
0x11: {  	[smem:$0x3FB7] =	sst s9;
	s0 =	simm.s32 @!p0 $0x0  }
0x12: {  	s1 =	sld [smem:$0x3F9D];
	s0 =	simm.s32 @p0 $0x1  }
0x13: {  	[smem:$0x3FB8] =	sst s0;
	s0 =	simm.s32 @!p1 $0x0  }
0x14: {  	s2 =	sld [smem:$0x3F9C];
	s0 =	simm.s32 @p1 $0x1  }
0x15: {  	[smem:$0x3FB9] =	sst s0;
	s0 =	simm.s32 @!p2 $0x0  }
0x16: {  	s3 =	sld [smem:$0x3FDB];
	s0 =	simm.s32 @p2 $0x1  }
0x17: {  	s4 =	simm.s32 $0x1BF5;
	[smem:$0x3FBB] =	sst s0  }
0x18: {  	s0 =	sld [smem:$0x3F9E];
	_ =	swait.ge [sflag:s4], $0x0  }
0x19: {  	s7 =	sld [smem:$0x3F9F]  }
0x1a: {  	s8 =	sadd.s32 $0xFFFFE003, lr  }
0x1b: {  	s9 =	sadd.s32 $0xFFFFFEF7, lr;
	s5 =	simm.s32 $0xFFFFFFFF;
	p2 =	slt.u32 s8, $0xFFFFF086  }
0x1c: {  	p1 =	slt.u32 s9, $0xF7A;
	s5 =	simm.s32 @!p2 $0x0  }
0x1d: {  	s5 =	simm.s32 @p1 $0x1;
	p0 =	seq.s32 s7, s2  }
0x1e: {  	s7 =	smul.u32 @!p0 $0xF7A, s2;
	p2 =	seq.s32 @!p0 s5, $0x0  }
0x1f: {  	s9 =	smul.u32 $0xF7A, s1;
	s8 =	simm.s32 @!p0 $0x1BF5;
	p2 =	por !p2, p0  }
0x20: {  	[sflag:s8] =	ssyncset.s32 @!p0 $0xFFFFF086;
	s6 =	sadd.s32 @!p0 s3, s7;
	s7 =	simm.s32 @!p0 $0x108  }
0x21: {  	s3 =	sadd.s32 s3, s9;
	s6 =	sadd.s32 @!p0 $0x88, s6;
	s7 =	simm.s32 @p2 $0x1082  }
0x22: {  	[simem:s7], [sflag:s8] =	dma.local @!p0 [hbm:s6], $0xF7A  }
0x23: {  	s9 =	sor.u32 $0xD0000000, s2;
	s6 =	simm.s32 $0x108;
	_ =	swait.ge @!p0 [sflag:s8], $0x0  }
0x24: {  	s3 =	sadd.s32 $0x88, s3;
	s6 =	simm.s32 @!p1 $0x1082;
	[sflag:s4] =	ssyncset.s32 $0xFFFFF086  }
0x25: {  	[simem:s6], [sflag:s4] =	dma.local [hbm:s3], $0xF7A  }
0x26: {  	[smem:$0x3F9F] =	sst s1;
	(tag) =	ssettag s2;
	_ =	strace s9  }
0x27: {  	s1 =	sld [smem:$0x3FAF]  }
0x28: {  	s2 =	sld [smem:$0x3FB0]  }
0x29: {  	s4 =	sld [smem:$0x3FB2]  }
0x2a: {  	p0 =	seq.s32 s5, $0x0;
	s5 =	sld [smem:$0x3FB3]  }
0x2b: {  	s6 =	sld [smem:$0x3FB4]  }
0x2c: {  	s7 =	sld [smem:$0x3FB5]  }
0x2d: {  	s3 =	simm.s32 $0x108;
	s8 =	sld [smem:$0x3FB6]  }
0x2e: {  	s3 =	simm.s32 @!p0 $0x1082;
	s9 =	sld [smem:$0x3FB7]  }
0x2f: {  	lr =	sadd.s32 s0, s3;
	s0 =	sld [smem:$0x3FAE]  }
0x30: {  	s3 =	sld [smem:$0x3FB1]  }
0x31: {  	[smem:$0x3FBA] =	sst s10  }
0x32: {  	s10 =	sld [smem:$0x3FB8];
	_ =	sdelay $0x3  }
0x33: {  	p0 =	seq.s32 s10, $0x1;
	s10 =	sld [smem:$0x3FBA];
	_ =	sdelay $0x3  }
0x34: {  	[smem:$0x3FBA] =	sst s10  }
0x35: {  	s10 =	sld [smem:$0x3FB9];
	_ =	sdelay $0x3  }
0x36: {  	p1 =	seq.s32 s10, $0x1;
	s10 =	sld [smem:$0x3FBA];
	_ =	sdelay $0x3  }
0x37: {  	[smem:$0x3FBA] =	sst s10  }
0x38: {  	s10 =	sld [smem:$0x3FBB]  }
0x39: {  	_ = 	snop;
	(pc) =	sbr.ind lr, $3  }
0x3a: {  	_ = 	snop  }
0x3b: {  	_ = 	snop  }
0x3c: {  	p2 =	seq.s32 s10, $0x1;
	s10 =	sld [smem:$0x3FBA]  }
0x3d: {  	_ =	shalt  }
0x3e: {  	_ =	shalt  }
0x3f: {  	_ =	shalt  }
0x40: {  	_ =	shalt  }
0x41: {  	_ =	shalt  }
0x42: {  	_ =	shalt  }
0x43: {  	_ =	shalt  }
0x44: {  	_ =	shalt  }
0x45: {  	_ =	shalt  }
0x46: {  	_ =	shalt  }
0x47: {  	_ =	shalt  }
0x48: {  	_ =	shalt  }
0x49: {  	_ =	shalt  }
0x4a: {  	_ =	shalt  }
0x4b: {  	_ =	shalt  }
0x4c: {  	_ =	shalt  }
0x4d: {  	_ =	shalt  }
0x4e: {  	_ =	shalt  }
0x4f: {  	_ =	shalt  }
0x50: {  	_ =	shalt  }
0x51: {  	_ =	shalt  }
0x52: {  	_ =	shalt  }
0x53: {  	_ =	shalt  }
0x54: {  	_ =	shalt  }
0x55: {  	_ =	shalt  }
0x56: {  	_ =	shalt  }
0x57: {  	_ =	shalt  }
0x58: {  	_ =	shalt  }
0x59: {  	_ =	shalt  }
0x5a: {  	_ =	shalt  }
0x5b: {  	_ =	shalt  }
0x5c: {  	_ =	shalt  }
0x5d: {  	_ =	shalt  }
0x5e: {  	_ =	shalt  }
0x5f: {  	_ =	shalt  }
0x60: {  	_ =	shalt  }
0x61: {  	_ =	shalt  }
0x62: {  	_ =	shalt  }
0x63: {  	_ =	shalt  }
0x64: {  	_ =	shalt  }
0x65: {  	_ =	shalt  }
0x66: {  	_ =	shalt  }
0x67: {  	_ =	shalt  }
0x68: {  	_ =	shalt  }
0x69: {  	_ =	shalt  }
0x6a: {  	_ =	shalt  }
0x6b: {  	_ =	shalt  }
0x6c: {  	_ =	shalt  }
0x6d: {  	_ =	shalt  }
0x6e: {  	_ =	shalt  }
0x6f: {  	_ =	shalt  }
0x70: {  	_ =	shalt  }
0x71: {  	_ =	shalt  }
0x72: {  	_ =	shalt  }
0x73: {  	_ =	shalt  }
0x74: {  	_ =	shalt  }
0x75: {  	_ =	shalt  }
0x76: {  	_ =	shalt  }
0x77: {  	_ =	shalt  }
0x78: {  	_ =	shalt  }
0x79: {  	_ =	shalt  }
0x7a: {  	_ =	shalt  }
0x7b: {  	_ =	shalt  }
0x7c: {  	_ =	shalt  }
0x7d: {  	_ =	shalt  }
0x7e: {  	_ =	shalt  }
0x7f: {  	_ =	shalt  }
0x80: {  	_ =	shalt  }
0x81: {  	_ =	shalt  }
0x82: {  	_ =	shalt  }
0x83: {  	_ =	shalt  }
0x84: {  	_ =	shalt  }
0x85: {  	_ =	shalt  }
0x86: {  	_ =	shalt  }
0x87: {  	_ =	shalt  }
.Lfunc_end0:
.L_simem_size_0:
called_computation.1_lowered:
.L_overlay_start_0:
0x88: {  	s2 =	sld [smem:$0x3FD9]  }
0x89: {  	s3 =	sld [smem:$0x3FFE];
	_ =	sdelay $0x1  }
0x8a: {  	s1 =	srdreg.scid  }
0x8b: {  	s0 =	sand.u32 $0x1, s1  }
0x8c: {  	s17 =	sshll.u32 s0, $0xA;
	s2 =	sadd.s32 s3, s2  }
0x8d: {  	s2 =	sadd.s32 s2, s17  }
0x8e: {  	[smem:$0x3FC6] =	sst s2  }
0x8f: {  	_ = 	snop  }
0x90: {  	s2 =	sld [smem:$0x3FD0];
	(tm) =	ssettm $0x1  }
0x91: {  	s18 =	sld [smem:$0x3FFB];
	_ =	sdelay $0x3  }
0x92: {  	_ =	strace s18  }
0x93: {  	s3 =	sld [smem:$0x3FFC];
	_ =	sdelay $0x3  }
0x94: {  	_ =	strace s3  }
0x95: {  	s3 =	sld [smem:$0x3FFD];
	_ =	sdelay $0x3  }
0x96: {  	_ =	strace s3  }
0x97: {  	_ =	strace $0x8FFFFFFF  }
0x98: {  	s19 =	sld [smem:$0x3FDB];
	_ =	sdelay $0x1  }
0x99: {  	s4 =	simm.s32 $_scs_section_size  }
0x9a: {  	s5 =	simm.s32 $_size__tile_overlayer_lowered;
	s6 =	simm.s32 $_tile_overlayer_lowered  }
0x9b: {  	s22 =	simm.s32 $0x1BFF;
	s21 =	sshll.u32 s6, $0x1;
	s3 =	sadd.s32 s4, s19  }
0x9c: {  	s7 =	simm.s32 $0x0;
	s20 =	sshll.u32 s5, $0x1;
	s5 =	sadd.s32 s21, s3  }
0x9d: {  	[timem:s7], [sflag:s22] =	dma.local [hbm:s5], s20  }
0x9e: {  	_ =	swait.ge [sflag:s22], s20  }
0x9f: {  	s4 =	ssub.s32 $0x0, s20;
	[sflag:s22] =	ssyncset.done $0x0  }
0xa0: {  	[sflag:s22] =	ssyncadd.s32 s4;
	_ =	sdelay $0x1  }
0xa1: {  	s23 =	simm.s32 $0x1B8B  }
0xa2: {  	_ =	swait.ge [sflag:s23], $0x1  }
0xa3: {  	[sflag:s23] =	ssyncset.done $0x0  }
0xa4: {  	s25 =	simm.s32 $0x1B8E;
	s24 =	sld [smem:$0x3FFE];
	[sflag:s23] =	ssyncadd.s32 $0xFFFFFFFF  }
0xa5: {  	s26 =	simm.s32 $execute0_lowered;
	[smem:$0x3FD2] =	sst s25  }
0xa6: {  	s5 =	sshll.u32 s26, $0x1;
	_ =	strace $0x80000046;
	[dreg:$0x1] =	wrdreg $0xFFFFFFFF  }
0xa7: {  	s28 =	simm.s32 $_size_execute0_lowered;
	s3 =	sadd.s32 s3, s5;
	[dreg:$0x0] =	wrdreg $0x0  }
0xa8: {  	s5 =	sshll.u32 s28, $0x1;
	[dreg:$0x2] =	wrdreg s3  }
0xa9: {  	[dreg:$0x3] =	wrdreg s5  }
0xaa: {  	[dreg:$0x4] =	wrdreg $0xC0  }
0xab: {  	_ =	task [dreg:s7], $0x5FFFF  }
0xac: {  	[dreg:$0x1] =	wrdreg $0xFFFFFFFF  }
0xad: {  	[dreg:$0x0] =	wrdreg $0x60  }
0xae: {  	[dreg:$0x2] =	wrdreg s2  }
0xaf: {  	[dreg:$0x3] =	wrdreg s24  }
0xb0: {  	[dreg:$0x4] =	wrdreg $0x9  }
0xb1: {  	_ =	task.clear_ibuf [dreg:s7], $0x5FFFF;
	_ =	strace $0x90000046  }
0xb2: {  	s29 =	simm.s32 $0x9;
	_ =	strace $0x80000048  }
0xb3: {  	_ =	swait.ge [sflag:s29], $0x1  }
0xb4: {  	[sflag:s29] =	ssyncadd.s32 $0xFFFFFFFF  }
0xb5: {  	_ =	strace $0x90000048  }
0xb6: {  	_ =	sfence  }
0xb7: {  	s30 =	sld [smem:$0x0];
	_ =	sdelay $0x2  }
0xb8: {  	s31 =	sshll.u32 s1, $0xD;
	s1 =	sshrl.u32 s1, $0x2  }
0xb9: {  	s3 =	sand.u32 $0x4000, s31;
	s1 =	sadd.s32 s1, s30  }
0xba: {  	s0 =	sor.u32 s3, s0;
	s1 =	sshll.u32 s1, $0x11  }
0xbb: {  	s0 =	sor.u32 s1, s0  }
0xbc: {  	s0 =	sadd.s32 $0x8F2B, s0  }
0xbd: {  	[sflag:s0] =	ssyncadd.remote.s32 $0x1  }
0xbe: {  	_ =	sfence.sel $0xFFFF  }
0xbf: {  	[dreg:$0x0] =	wrdreg $0xFFFFFFFF;
	(pc) =	sbr.abs _section_cstart, $3  }
0xc0: {  	[dreg:$0x1] =	wrdreg $0xFFFFFFFF  }
0xc1: {  	_ =	task.clear_ibuf [dreg:s7], $0x2FFFF;
	_ =	strace $0x9FFFFFFF  }
0xc2: {  	(tm) =	ssettm $0x7FFFFFFF  }
0xc3: {  	_ =	shalt  }
tec
execute0_lowered:
.L_overlay_start_1:
0x0: {  	(tag) =	ssettag $0x1  }
0x1: {  	s0 =	rddreg [dreg:$0x0]  }
0x2: {  	s1 =	rddreg [dreg:$0x1]  }
0x3: {  	s2 =	srdreg.scid;
	s4 =	stileid.u32;
	s9 =	simm.s32 $0x32  }
0x4: {  	s24 =	simm.s32 $0x11F00;
	s28 =	simm.s32 $0x3;
	s29 =	simm.s32 $0x4  }
0x5: {  	s30 =	simm.s32 $0x5;
	s31 =	simm.s32 $0x6;
	s10 =	simm.s32 $0x9  }
0x6: {  	s11 =	simm.s32 $0xA;
	s12 =	simm.s32 $0xB;
	s13 =	simm.s32 $0xC  }
0x7: {  	s14 =	simm.s32 $0xD;
	s15 =	simm.s32 $0xE;
	s16 =	simm.s32 $0xF  }
0x8: {  	s17 =	simm.s32 $0x10;
	s18 =	simm.s32 $0x0;
	s3 =	sand.u32 $0x1, s2  }
0x9: {  	s2 =	simm.s32 $0x0;
	s4 =	sshll.u32 s4, $0xA;
	s5 =	sshll.u32 s3, $0x9  }
0xa: {  	[smem:$0x7FF] =	sst s2;
	s6 =	ssub.s32 $0x2, s3;
	s3 =	sor.u32 s5, s4  }
.Ltmp0:
0xb: {  	_ =	strace $0x80000047;
	s7 =	sshrl.u32 s6, $0x1;
	(pc) =	sbr.rel .LBB2_1-.Ltmp0, $4  }
0xc: {  	s4 =	sadd.s32 $0x800, s1;
	s8 =	smul.u32 $0x7, s3;
	s25 =	ssub.s32 s6, s7  }
0xd: {  	s5 =	sadd.s32 $0xF42C00, s1;
	s1 =	simm.s32 $0x8;
	s26 =	smax.u32 s25, $0x1  }
0xe: {  	s25 =	simm.s32 $0x1;
	s0 =	sadd.s32 s0, s8;
	[dreg:$0x4] =	wrdreg s26  }
0xf: {  	s26 =	simm.s32 $0x2;
	[dreg:$0x3] =	wrdreg s0;
	s0 =	simm.s32 $0x7  }
.LBB2_20:
0x10: {  	_ =	swait.ge [sflag:s10], $0xC80  }
0x11: {  	[sflag:s10] =	ssyncset.done $0x0  }
0x12: {  	[sflag:s10] =	ssyncadd.s32 $0xFFFFF380  }
0x13: {  	_ =	swait.ge [sflag:s11], $0xC80  }
0x14: {  	[sflag:s11] =	ssyncset.done $0x0  }
0x15: {  	[sflag:s11] =	ssyncadd.s32 $0xFFFFF380  }
0x16: {  	_ =	swait.ge [sflag:s12], $0xC80  }
0x17: {  	[sflag:s12] =	ssyncset.done $0x0  }
0x18: {  	[sflag:s12] =	ssyncadd.s32 $0xFFFFF380  }
0x19: {  	_ =	swait.ge [sflag:s13], $0xC80  }
0x1a: {  	[sflag:s13] =	ssyncset.done $0x0  }
0x1b: {  	[sflag:s13] =	ssyncadd.s32 $0xFFFFF380  }
0x1c: {  	_ =	swait.ge [sflag:s14], $0xC80  }
0x1d: {  	[sflag:s14] =	ssyncset.done $0x0  }
0x1e: {  	[sflag:s14] =	ssyncadd.s32 $0xFFFFF380  }
0x1f: {  	_ =	swait.ge [sflag:s15], $0xC80  }
0x20: {  	[sflag:s15] =	ssyncset.done $0x0  }
0x21: {  	[sflag:s15] =	ssyncadd.s32 $0xFFFFF380  }
0x22: {  	_ =	swait.ge [sflag:s16], $0xC80  }
0x23: {  	[sflag:s16] =	ssyncset.done $0x0  }
0x24: {  	[sflag:s16] =	ssyncadd.s32 $0xFFFFF380  }
0x25: {  	_ =	swait.ge [sflag:s17], $0xC80  }
0x26: {  	s18 =	sadd.s32 $0x1, s18;
	s6 =	rddreg [dreg:$0x4]  }
0x27: {  	p0 =	sne.s32 s18, s6  }
.Ltmp1:
0x28: {  	_ = 	snop;
	(pc) =	sbr.rel @!p0 .LBB2_21-.Ltmp1, $3  }
0x29: {  	_ =	sdelay $0x1  }
0x2a: {  	[sflag:s17] =	ssyncset.done $0x0  }
0x2b: {  	[sflag:s17] =	ssyncadd.s32 $0xFFFFF380  }
.LBB2_1:
0x2c: {  	s6 =	rddreg [dreg:$0x3];
	s7 =	simm.s32 $0x11  }
0x2d: {  	[tilespmem:s2], [sflag:$0x11] =	stream.linear.gather [hbm4b:s6+s2], $0x7000, $0x38;
	[tilespmem:$0x13800] =	vst v63  }
0x2e: {  	_ =	swait.ge [sflag:s7], $0x7000  }
0x2f: {  	[sflag:s7] =	ssyncset.done $0x0  }
0x30: {  	s8 =	simm.s32 $0x7000;
	[sflag:s7] =	ssyncadd.s32 $0xFFFF9000  }
0x31: {  	[tilespmem:s8], [sflag:$0x1] =	stream.indirect.gather [hbm4b:s4+s9], $0x80, s2, s9, $0xb8;
	[tilespmem:$0x13800] =	vst v63  }
0x32: {  	s19 =	simm.s32 $0x38;
	s7 =	simm.s32 $0x8900  }
0x33: {  	[tilespmem:s7], [sflag:$0x2] =	stream.indirect.gather [hbm4b:s4+s9], $0x80, s19, s9, $0xb8;
	[tilespmem:$0x13800] =	vst v63  }
0x34: {  	s20 =	simm.s32 $0x70;
	s21 =	simm.s32 $0xA200  }
0x35: {  	[tilespmem:s21], [sflag:$0x3] =	stream.indirect.gather [hbm4b:s4+s9], $0x80, s20, s9, $0xb8;
	[tilespmem:$0x13800] =	vst v63  }
0x36: {  	s22 =	simm.s32 $0xA8;
	s23 =	simm.s32 $0xBB00  }
0x37: {  	[tilespmem:s23], [sflag:$0x4] =	stream.indirect.gather [hbm4b:s4+s9], $0x80, s22, s9, $0xb8;
	[tilespmem:$0x13800] =	vst v63  }
0x38: {  	s8 =	simm.s32 $0xD400;
	s7 =	simm.s32 $0xE0  }
0x39: {  	[tilespmem:s8], [sflag:$0x5] =	stream.indirect.gather [hbm4b:s4+s9], $0x80, s7, s9, $0xb8;
	[tilespmem:$0x13800] =	vst v63  }
0x3a: {  	s19 =	simm.s32 $0x118;
	s20 =	simm.s32 $0xED00  }
0x3b: {  	[tilespmem:s20], [sflag:$0x6] =	stream.indirect.gather [hbm4b:s4+s9], $0x80, s19, s9, $0xb8;
	[tilespmem:$0x13800] =	vst v63  }
0x3c: {  	s21 =	simm.s32 $0x150;
	s22 =	simm.s32 $0x10600  }
0x3d: {  	[tilespmem:s22], [sflag:$0x7] =	stream.indirect.gather [hbm4b:s4+s9], $0x80, s21, s9, $0xb8;
	[tilespmem:$0x13800] =	vst v63  }
0x3e: {  	s23 =	simm.s32 $0x188;
	s19 =	simm.s32 $0x0  }
0x3f: {  	[tilespmem:s24], [sflag:$0x8] =	stream.indirect.gather [hbm4b:s4+s9], $0x80, s23, s9, $0xb8;
	[tilespmem:$0x13800] =	vst v63  }
.LBB2_2:
0x40: {  	s21 =	sshll.u32 s19, $0x3  }
0x41: {  	s6 =	sadd.s32 s3, s21  }
0x42: {  	s6 =	smul.u32 $0x380, s6  }
0x43: {  	_ =	swait.ge [sflag:s25], $0x1900;
	s22 =	simm.s32 $0x7000  }
0x44: {  	s23 =	simm.s32 $0x10;
	[sflag:s25] =	ssyncset.done $0x0;
	s20 =	sadd.s32 s5, s6  }
0x45: {  	[sflag:s25] =	ssyncadd.s32 $0xFFFFE700;
	s6 =	simm.s32 $0x7080;
	s7 =	sadd.s32 $0x0, s20  }
.LBB2_3:
0x46: {  	[hbm4b:s7+s2] =	stream.linear.scatter [tilespmem:s22], [sflag:$0x9], $0x40, $0x38;
	[tilespmem:$0x13800] =	vst v63  }
0x47: {  	s7 =	smov.u32 s23;
	s22 =	smov.u32 s6;
	p0 =	sne.s32 s23, $0x310  }
.Ltmp2:
0x48: {  	s23 =	sadd.s32 $0x10, s23;
	(pc) =	sbr.rel @p0 .LBB2_3-.Ltmp2, $2  }
0x49: {  	_ =	sdelay $0x2  }
0x4a: {  	s6 =	sadd.s32 $0x80, s6;
	s7 =	sadd.s32 s7, s20  }
0x4b: {  	[hbm4b:s7+s2] =	stream.linear.scatter [tilespmem:s22], [sflag:$0x9], $0x40, $0x38;
	[tilespmem:$0x13800] =	vst v63  }
0x4c: {  	p0 =	seq.s32 s19, $0x3F  }
0x4d: {  	s6 =	simm.s32 @!p0 $0x9;
	s7 =	smul.u32 @!p0 $0x700, s19  }
0x4e: {  	s23 =	sadd.s32 s21, s3;
	_ =	swait.ge @!p0 [sflag:s6], $0xC80  }
0x4f: {  	s8 =	simm.s32 @!p0 $0x7000;
	[sflag:s6] =	ssyncset.done @!p0 $0x0;
	s20 =	sshra.s32 @!p0 s7, $0x2  }
0x50: {  	s7 =	simm.s32 @!p0 $0x32;
	[sflag:s6] =	ssyncadd.s32 @!p0 $0xFFFFF380;
	s6 =	sadd.s32 @!p0 $0x1C0, s20  }
0x51: {  	[tilespmem:s8], [sflag:$0x1] =	stream.indirect.gather @!p0 [hbm4b:s4+s7], $0x80, s6, s7, $0xb8;
	[tilespmem:$0x13800] =	vst v63  }
0x52: {  	s6 =	smul.u32 $0x380, s23;
	_ =	sdelay $0x1  }
0x53: {  	s23 =	simm.s32 $0x8900;
	_ =	swait.ge [sflag:s26], $0x1900;
	s21 =	sadd.s32 s5, s6  }
0x54: {  	s7 =	simm.s32 $0x8980;
	[sflag:s26] =	ssyncset.done $0x0;
	s22 =	sadd.s32 $0x380, s21  }
0x55: {  	s6 =	simm.s32 $0x10;
	[sflag:s26] =	ssyncadd.s32 $0xFFFFE700;
	s8 =	sadd.s32 $0x0, s22  }
.LBB2_5:
0x56: {  	[hbm4b:s8+s2] =	stream.linear.scatter [tilespmem:s23], [sflag:$0xA], $0x40, $0x38;
	[tilespmem:$0x13800] =	vst v63  }
0x57: {  	s8 =	smov.u32 s6;
	s23 =	smov.u32 s7;
	p1 =	sne.s32 s6, $0x310  }
.Ltmp3:
0x58: {  	s6 =	sadd.s32 $0x10, s6;
	(pc) =	sbr.rel @p1 .LBB2_5-.Ltmp3, $2  }
0x59: {  	_ =	sdelay $0x2  }
0x5a: {  	s7 =	sadd.s32 $0x80, s7;
	s8 =	sadd.s32 s8, s22  }
0x5b: {  	[hbm4b:s8+s2] =	stream.linear.scatter [tilespmem:s23], [sflag:$0xA], $0x40, $0x38;
	[tilespmem:$0x13800] =	vst v63  }
0x5c: {  	s6 =	simm.s32 @!p0 $0xA  }
0x5d: {  	_ =	swait.ge @!p0 [sflag:s6], $0xC80  }
0x5e: {  	s7 =	simm.s32 @!p0 $0x32;
	[sflag:s6] =	ssyncset.done @!p0 $0x0  }
0x5f: {  	s8 =	simm.s32 @!p0 $0x8900;
	[sflag:s6] =	ssyncadd.s32 @!p0 $0xFFFFF380;
	s6 =	sadd.s32 @!p0 $0x1F8, s20  }
0x60: {  	[tilespmem:s8], [sflag:$0x2] =	stream.indirect.gather @!p0 [hbm4b:s4+s7], $0x80, s6, s7, $0xb8;
	[tilespmem:$0x13800] =	vst v63  }
0x61: {  	s22 =	sadd.s32 $0x700, s21;
	_ =	swait.ge [sflag:s28], $0x1900  }
0x62: {  	s23 =	simm.s32 $0xA200;
	s6 =	simm.s32 $0x10;
	[sflag:s28] =	ssyncset.done $0x0  }
0x63: {  	s8 =	sadd.s32 $0x0, s22;
	s7 =	simm.s32 $0xA280;
	[sflag:s28] =	ssyncadd.s32 $0xFFFFE700  }
.LBB2_7:
0x64: {  	[hbm4b:s8+s2] =	stream.linear.scatter [tilespmem:s23], [sflag:$0xB], $0x40, $0x38;
	[tilespmem:$0x13800] =	vst v63  }
0x65: {  	s8 =	smov.u32 s6;
	s23 =	smov.u32 s7;
	p1 =	sne.s32 s6, $0x310  }
.Ltmp4:
0x66: {  	s6 =	sadd.s32 $0x10, s6;
	(pc) =	sbr.rel @p1 .LBB2_7-.Ltmp4, $2  }
0x67: {  	_ =	sdelay $0x2  }
0x68: {  	s7 =	sadd.s32 $0x80, s7;
	s8 =	sadd.s32 s8, s22  }
0x69: {  	[hbm4b:s8+s2] =	stream.linear.scatter [tilespmem:s23], [sflag:$0xB], $0x40, $0x38;
	[tilespmem:$0x13800] =	vst v63  }
0x6a: {  	s6 =	simm.s32 @!p0 $0xB  }
0x6b: {  	_ =	swait.ge @!p0 [sflag:s6], $0xC80  }
0x6c: {  	s7 =	simm.s32 @!p0 $0x32;
	[sflag:s6] =	ssyncset.done @!p0 $0x0  }
0x6d: {  	s8 =	simm.s32 @!p0 $0xA200;
	[sflag:s6] =	ssyncadd.s32 @!p0 $0xFFFFF380;
	s6 =	sadd.s32 @!p0 $0x230, s20  }
0x6e: {  	[tilespmem:s8], [sflag:$0x3] =	stream.indirect.gather @!p0 [hbm4b:s4+s7], $0x80, s6, s7, $0xb8;
	[tilespmem:$0x13800] =	vst v63  }
0x6f: {  	s22 =	sadd.s32 $0xA80, s21;
	_ =	swait.ge [sflag:s29], $0x1900  }
0x70: {  	s23 =	simm.s32 $0xBB00;
	s6 =	simm.s32 $0x10;
	[sflag:s29] =	ssyncset.done $0x0  }
0x71: {  	s8 =	sadd.s32 $0x0, s22;
	s7 =	simm.s32 $0xBB80;
	[sflag:s29] =	ssyncadd.s32 $0xFFFFE700  }
.LBB2_9:
0x72: {  	[hbm4b:s8+s2] =	stream.linear.scatter [tilespmem:s23], [sflag:$0xC], $0x40, $0x38;
	[tilespmem:$0x13800] =	vst v63  }
0x73: {  	s8 =	smov.u32 s6;
	s23 =	smov.u32 s7;
	p1 =	sne.s32 s6, $0x310  }
.Ltmp5:
0x74: {  	s6 =	sadd.s32 $0x10, s6;
	(pc) =	sbr.rel @p1 .LBB2_9-.Ltmp5, $2  }
0x75: {  	_ =	sdelay $0x2  }
0x76: {  	s7 =	sadd.s32 $0x80, s7;
	s8 =	sadd.s32 s8, s22  }
0x77: {  	[hbm4b:s8+s2] =	stream.linear.scatter [tilespmem:s23], [sflag:$0xC], $0x40, $0x38;
	[tilespmem:$0x13800] =	vst v63  }
0x78: {  	s6 =	simm.s32 @!p0 $0xC  }
0x79: {  	_ =	swait.ge @!p0 [sflag:s6], $0xC80  }
0x7a: {  	s7 =	simm.s32 @!p0 $0x32;
	[sflag:s6] =	ssyncset.done @!p0 $0x0  }
0x7b: {  	s8 =	simm.s32 @!p0 $0xBB00;
	[sflag:s6] =	ssyncadd.s32 @!p0 $0xFFFFF380;
	s6 =	sadd.s32 @!p0 $0x268, s20  }
0x7c: {  	[tilespmem:s8], [sflag:$0x4] =	stream.indirect.gather @!p0 [hbm4b:s4+s7], $0x80, s6, s7, $0xb8;
	[tilespmem:$0x13800] =	vst v63  }
0x7d: {  	s22 =	sadd.s32 $0xE00, s21;
	_ =	swait.ge [sflag:s30], $0x1900  }
0x7e: {  	s23 =	simm.s32 $0xD400;
	s6 =	simm.s32 $0x10;
	[sflag:s30] =	ssyncset.done $0x0  }
0x7f: {  	s8 =	sadd.s32 $0x0, s22;
	s7 =	simm.s32 $0xD480;
	[sflag:s30] =	ssyncadd.s32 $0xFFFFE700  }
.LBB2_11:
0x80: {  	[hbm4b:s8+s2] =	stream.linear.scatter [tilespmem:s23], [sflag:$0xD], $0x40, $0x38;
	[tilespmem:$0x13800] =	vst v63  }
0x81: {  	s8 =	smov.u32 s6;
	s23 =	smov.u32 s7;
	p1 =	sne.s32 s6, $0x310  }
.Ltmp6:
0x82: {  	s6 =	sadd.s32 $0x10, s6;
	(pc) =	sbr.rel @p1 .LBB2_11-.Ltmp6, $2  }
0x83: {  	_ =	sdelay $0x2  }
0x84: {  	s7 =	sadd.s32 $0x80, s7;
	s8 =	sadd.s32 s8, s22  }
0x85: {  	[hbm4b:s8+s2] =	stream.linear.scatter [tilespmem:s23], [sflag:$0xD], $0x40, $0x38;
	[tilespmem:$0x13800] =	vst v63  }
0x86: {  	s6 =	simm.s32 @!p0 $0xD  }
0x87: {  	_ =	swait.ge @!p0 [sflag:s6], $0xC80  }
0x88: {  	s7 =	simm.s32 @!p0 $0x32;
	[sflag:s6] =	ssyncset.done @!p0 $0x0  }
0x89: {  	s8 =	simm.s32 @!p0 $0xD400;
	[sflag:s6] =	ssyncadd.s32 @!p0 $0xFFFFF380;
	s6 =	sadd.s32 @!p0 $0x2A0, s20  }
0x8a: {  	[tilespmem:s8], [sflag:$0x5] =	stream.indirect.gather @!p0 [hbm4b:s4+s7], $0x80, s6, s7, $0xb8;
	[tilespmem:$0x13800] =	vst v63  }
0x8b: {  	s22 =	sadd.s32 $0x1180, s21;
	_ =	swait.ge [sflag:s31], $0x1900  }
0x8c: {  	s23 =	simm.s32 $0xED00;
	s6 =	simm.s32 $0x10;
	[sflag:s31] =	ssyncset.done $0x0  }
0x8d: {  	s8 =	sadd.s32 $0x0, s22;
	s7 =	simm.s32 $0xED80;
	[sflag:s31] =	ssyncadd.s32 $0xFFFFE700  }
.LBB2_13:
0x8e: {  	[hbm4b:s8+s2] =	stream.linear.scatter [tilespmem:s23], [sflag:$0xE], $0x40, $0x38;
	[tilespmem:$0x13800] =	vst v63  }
0x8f: {  	s8 =	smov.u32 s6;
	s23 =	smov.u32 s7;
	p1 =	sne.s32 s6, $0x310  }
.Ltmp7:
0x90: {  	s6 =	sadd.s32 $0x10, s6;
	(pc) =	sbr.rel @p1 .LBB2_13-.Ltmp7, $2  }
0x91: {  	_ =	sdelay $0x2  }
0x92: {  	s7 =	sadd.s32 $0x80, s7;
	s8 =	sadd.s32 s8, s22  }
0x93: {  	[hbm4b:s8+s2] =	stream.linear.scatter [tilespmem:s23], [sflag:$0xE], $0x40, $0x38;
	[tilespmem:$0x13800] =	vst v63  }
0x94: {  	s6 =	simm.s32 @!p0 $0xE  }
0x95: {  	_ =	swait.ge @!p0 [sflag:s6], $0xC80  }
0x96: {  	s7 =	simm.s32 @!p0 $0x32;
	[sflag:s6] =	ssyncset.done @!p0 $0x0  }
0x97: {  	s8 =	simm.s32 @!p0 $0xED00;
	[sflag:s6] =	ssyncadd.s32 @!p0 $0xFFFFF380;
	s6 =	sadd.s32 @!p0 $0x2D8, s20  }
0x98: {  	[tilespmem:s8], [sflag:$0x6] =	stream.indirect.gather @!p0 [hbm4b:s4+s7], $0x80, s6, s7, $0xb8;
	[tilespmem:$0x13800] =	vst v63  }
0x99: {  	s22 =	sadd.s32 $0x1500, s21;
	_ =	swait.ge [sflag:s0], $0x1900  }
0x9a: {  	s23 =	simm.s32 $0x10600;
	s6 =	simm.s32 $0x10;
	[sflag:s0] =	ssyncset.done $0x0  }
0x9b: {  	s8 =	sadd.s32 $0x0, s22;
	s7 =	simm.s32 $0x10680;
	[sflag:s0] =	ssyncadd.s32 $0xFFFFE700  }
.LBB2_15:
0x9c: {  	[hbm4b:s8+s2] =	stream.linear.scatter [tilespmem:s23], [sflag:$0xF], $0x40, $0x38;
	[tilespmem:$0x13800] =	vst v63  }
0x9d: {  	s8 =	smov.u32 s6;
	s23 =	smov.u32 s7;
	p1 =	sne.s32 s6, $0x310  }
.Ltmp8:
0x9e: {  	s6 =	sadd.s32 $0x10, s6;
	(pc) =	sbr.rel @p1 .LBB2_15-.Ltmp8, $2  }
0x9f: {  	_ =	sdelay $0x2  }
0xa0: {  	s7 =	sadd.s32 $0x80, s7;
	s8 =	sadd.s32 s8, s22  }
0xa1: {  	[hbm4b:s8+s2] =	stream.linear.scatter [tilespmem:s23], [sflag:$0xF], $0x40, $0x38;
	[tilespmem:$0x13800] =	vst v63  }
0xa2: {  	s6 =	simm.s32 @!p0 $0xF  }
0xa3: {  	_ =	swait.ge @!p0 [sflag:s6], $0xC80  }
0xa4: {  	s7 =	simm.s32 @!p0 $0x32;
	[sflag:s6] =	ssyncset.done @!p0 $0x0  }
0xa5: {  	s8 =	simm.s32 @!p0 $0x10600;
	[sflag:s6] =	ssyncadd.s32 @!p0 $0xFFFFF380;
	s6 =	sadd.s32 @!p0 $0x310, s20  }
0xa6: {  	[tilespmem:s8], [sflag:$0x7] =	stream.indirect.gather @!p0 [hbm4b:s4+s7], $0x80, s6, s7, $0xb8;
	[tilespmem:$0x13800] =	vst v63  }
0xa7: {  	s20 =	sadd.s32 $0x1880, s21;
	_ =	swait.ge [sflag:s1], $0x1900  }
0xa8: {  	s21 =	simm.s32 $0x11F00;
	s6 =	simm.s32 $0x10;
	[sflag:s1] =	ssyncset.done $0x0  }
0xa9: {  	s8 =	sadd.s32 $0x0, s20;
	s7 =	simm.s32 $0x11F80;
	[sflag:s1] =	ssyncadd.s32 $0xFFFFE700  }
.LBB2_17:
0xaa: {  	[hbm4b:s8+s2] =	stream.linear.scatter [tilespmem:s21], [sflag:$0x10], $0x40, $0x38;
	[tilespmem:$0x13800] =	vst v63  }
0xab: {  	s8 =	smov.u32 s6;
	s21 =	smov.u32 s7;
	p1 =	sne.s32 s6, $0x310  }
.Ltmp9:
0xac: {  	s6 =	sadd.s32 $0x10, s6;
	(pc) =	sbr.rel @p1 .LBB2_17-.Ltmp9, $2  }
0xad: {  	_ =	sdelay $0x2  }
0xae: {  	s7 =	sadd.s32 $0x80, s7;
	s8 =	sadd.s32 s8, s20  }
.Ltmp10:
0xaf: {  	(pc) =	sbr.rel @p0 .LBB2_20-.Ltmp10, $2  }
0xb0: {  	_ =	sdelay $0x2  }
0xb1: {  	[hbm4b:s8+s2] =	stream.linear.scatter [tilespmem:s21], [sflag:$0x10], $0x40, $0x38;
	[tilespmem:$0x13800] =	vst v63  }
0xb2: {  	s6 =	smul.u32 $0x700, s19  }
.Ltmp11:
0xb3: {  	_ = 	snop;
	(pc) =	sbr.rel .LBB2_2-.Ltmp11, $4  }
0xb4: {  	_ =	swait.ge [sflag:s17], $0xC80  }
0xb5: {  	[sflag:s17] =	ssyncset.done $0x0;
	s6 =	sshra.s32 s6, $0x2  }
0xb6: {  	s19 =	sadd.s32 $0x1, s19;
	[sflag:s17] =	ssyncadd.s32 $0xFFFFF380;
	s6 =	sadd.s32 $0x348, s6  }
0xb7: {  	[tilespmem:s24], [sflag:$0x8] =	stream.indirect.gather [hbm4b:s4+s9], $0x80, s6, s9, $0xb8;
	[tilespmem:$0x13800] =	vst v63  }
.LBB2_21:
0xb8: {  	_ =	sfence.sel $0x180000  }
0xb9: {  	[bflag:$0x0] =	sbarrier.arrive $0xFFFF  }
0xba: {  	_ =	strace $0x90000047  }
0xbb: {  	s0 =	stileid.u32;
	[bflag:$0x2] =	sbarrier.arrive $0xFFFF  }
0xbc: {  	p0 =	sne.s32 s0, $0x0;
	s0 =	rddreg [dreg:$0x2]  }
0xbd: {  	s0 =	sadd.s32 @!p0 $0x100000, s0  }
0xbe: {  	[sflag:s0] =	ssyncadd.tile.s32 @!p0 $0x1;
	_ =	shalt  }
.Lfunc_end2:
_tile_overlayer_lowered:
.L_overlay_start_2:
0xbf: {  	(tag) =	ssettag $0x2  }
0xc0: {  	s0 =	rddreg [dreg:$0x0];
	s2 =	stileid.u32  }
0xc1: {  	s1 =	rddreg [dreg:$0x1];
	p0 =	sne.s32 s2, $0x0  }
0xc2: {  	s3 =	rddreg [dreg:$0x2];
	[bflag:$0x3] =	sbarrier.arrive $0xFFFF;
	s2 =	simm.s32 @!p0 $0x1C11  }
0xc3: {  	[timem:s3], [sflag:s2] =	dma.local @!p0 [hbm:s0], s1  }
0xc4: {  	s0 =	simm.s32 @!p0 $0x11  }
0xc5: {  	_ =	swait.ge @!p0 [sflag:s0], s1  }
0xc6: {  	s1 =	ssub.s32 @!p0 $0x0, s1;
	[sflag:s0] =	ssyncset.done @!p0 $0x0  }
0xc7: {  	[sflag:s0] =	ssyncadd.s32 @!p0 s1  }
0xc8: {  	[bflag:$0x3] =	sbarrier.arrive $0xFFFF  }
0xc9: {  	_ =	shalt  }

// kernel: sparse-core-data-format-call.cloned.1.call-start
scs
called_computation_lowered:
.L_overlay_start_0:
0x0: {  	s2 =	sld [smem:$0x3FD9]  }
0x1: {  	s3 =	sld [smem:$0x3FFE];
	_ =	sdelay $0x1  }
0x2: {  	s1 =	srdreg.scid  }
0x3: {  	s0 =	sand.u32 $0x1, s1  }
0x4: {  	s18 =	sshll.u32 s0, $0xA;
	s2 =	sadd.s32 s3, s2  }
0x5: {  	s2 =	sadd.s32 s2, s18  }
0x6: {  	[smem:$0x3FC6] =	sst s2  }
0x7: {  	_ = 	snop  }
0x8: {  	s2 =	sld [smem:$0x3FD0];
	(tm) =	ssettm $0x1  }
0x9: {  	s19 =	sld [smem:$0x3FFB];
	_ =	sdelay $0x3  }
0xa: {  	_ =	strace s19  }
0xb: {  	s3 =	sld [smem:$0x3FFC];
	_ =	sdelay $0x3  }
0xc: {  	_ =	strace s3  }
0xd: {  	s3 =	sld [smem:$0x3FFD];
	_ =	sdelay $0x3  }
0xe: {  	_ =	strace s3  }
0xf: {  	_ =	strace $0x8FFFFFFF  }
0x10: {  	s20 =	sld [smem:$0x3FDB];
	_ =	sdelay $0x1  }
0x11: {  	s4 =	simm.s32 $_scs_section_size  }
0x12: {  	s5 =	simm.s32 $_size__tile_overlayer_lowered;
	s6 =	simm.s32 $_tile_overlayer_lowered  }
0x13: {  	s23 =	simm.s32 $0x1BFF;
	s22 =	sshll.u32 s6, $0x1;
	s3 =	sadd.s32 s4, s20  }
0x14: {  	s7 =	simm.s32 $0x0;
	s21 =	sshll.u32 s5, $0x1;
	s5 =	sadd.s32 s22, s3  }
0x15: {  	[timem:s7], [sflag:s23] =	dma.local [hbm:s5], s21  }
0x16: {  	_ =	swait.ge [sflag:s23], s21  }
0x17: {  	s4 =	ssub.s32 $0x0, s21;
	[sflag:s23] =	ssyncset.done $0x0  }
0x18: {  	[sflag:s23] =	ssyncadd.s32 s4;
	_ =	sdelay $0x1  }
0x19: {  	s24 =	simm.s32 $0x1B8B  }
0x1a: {  	_ =	swait.ge [sflag:s24], $0x1  }
0x1b: {  	[sflag:s24] =	ssyncset.done $0x0  }
0x1c: {  	s26 =	simm.s32 $0x1B8E;
	s25 =	sld [smem:$0x3FFE];
	[sflag:s24] =	ssyncadd.s32 $0xFFFFFFFF  }
0x1d: {  	s27 =	simm.s32 $execute0_lowered;
	[smem:$0x3FD2] =	sst s26  }
0x1e: {  	s5 =	sshll.u32 s27, $0x1;
	_ =	strace $0x80000049;
	[dreg:$0x1] =	wrdreg $0xFFFFFFFF  }
0x1f: {  	s28 =	simm.s32 $_size_execute0_lowered;
	s3 =	sadd.s32 s3, s5;
	[dreg:$0x0] =	wrdreg $0x0  }
0x20: {  	s5 =	sshll.u32 s28, $0x1;
	[dreg:$0x2] =	wrdreg s3  }
0x21: {  	[dreg:$0x3] =	wrdreg s5  }
0x22: {  	[dreg:$0x4] =	wrdreg $0xC0  }
0x23: {  	_ =	task [dreg:s7], $0x5FFFF  }
0x24: {  	[dreg:$0x1] =	wrdreg $0xFFFFFFFF  }
0x25: {  	[dreg:$0x0] =	wrdreg $0x60  }
0x26: {  	[dreg:$0x2] =	wrdreg s25  }
0x27: {  	[dreg:$0x3] =	wrdreg s2  }
0x28: {  	[dreg:$0x4] =	wrdreg $0x9  }
0x29: {  	_ =	task.clear_ibuf [dreg:s7], $0x5FFFF;
	_ =	strace $0x90000049  }
0x2a: {  	s29 =	simm.s32 $0x9;
	_ =	strace $0x8000004B  }
0x2b: {  	_ =	swait.ge [sflag:s29], $0x1  }
0x2c: {  	[sflag:s29] =	ssyncadd.s32 $0xFFFFFFFF  }
0x2d: {  	_ =	strace $0x9000004B  }
0x2e: {  	_ =	sfence  }
0x2f: {  	s30 =	sld [smem:$0x0];
	_ =	sdelay $0x2  }
0x30: {  	s31 =	sshll.u32 s1, $0xD;
	s1 =	sshrl.u32 s1, $0x2  }
0x31: {  	s3 =	sand.u32 $0x4000, s31;
	s1 =	sadd.s32 s1, s30  }
0x32: {  	s0 =	sor.u32 s3, s0;
	s1 =	sshll.u32 s1, $0x11  }
0x33: {  	s0 =	sor.u32 s1, s0  }
0x34: {  	s0 =	sadd.s32 $0x8F2B, s0  }
0x35: {  	[sflag:s0] =	ssyncadd.remote.s32 $0x1  }
0x36: {  	_ =	sfence.sel $0xFFFF  }
0x37: {  	[dreg:$0x0] =	wrdreg $0xFFFFFFFF;
	(pc) =	sbr.abs _section_cstart, $3  }
0x38: {  	[dreg:$0x1] =	wrdreg $0xFFFFFFFF  }
0x39: {  	_ =	task.clear_ibuf [dreg:s7], $0x2FFFF;
	_ =	strace $0x9FFFFFFF  }
0x3a: {  	(tm) =	ssettm $0x7FFFFFFF  }
0x3b: {  	_ =	shalt  }
tec
execute0_lowered:
.L_overlay_start_1:
0x0: {  	(tag) =	ssettag $0x1  }
0x1: {  	s0 =	srdreg.scid  }
0x2: {  	s1 =	sshll.u32 s0, $0x4  }
0x3: {  	s0 =	stileid.u32;
	s1 =	sand.u32 $0x10, s1  }
0x4: {  	s1 =	sor.u32 s0, s1  }
0x5: {  	s6 =	rddreg [dreg:$0x0];
	s4 =	simm.s32 $0x1;
	s2 =	sshll.u32 s1, $0x7  }
0x6: {  	s7 =	simm.s32 $0x2;
	s12 =	simm.s32 $0x0;
	s1 =	ssub.s32 $0x4000, s2  }
0x7: {  	s8 =	simm.s32 $0x20000;
	s13 =	simm.s32 $0x0;
	s3 =	sand.u32 $0xF80, s1  }
0x8: {  	s9 =	simm.s32 $0x0;
	s5 =	sshrl.u32 s1, $0xC;
	p0 =	sne.s32 s3, $0x0  }
.Ltmp0:
0x9: {  	s1 =	rddreg [dreg:$0x2];
	s4 =	simm.s32 @!p0 $0x0;
	(pc) =	sbr.rel .LBB1_1-.Ltmp0, $4  }
0xa: {  	s11 =	simm.s32 $0x0;
	s3 =	rddreg [dreg:$0x1];
	s5 =	sadd.s32 s4, s5  }
0xb: {  	_ =	strace $0x8000004A;
	s4 =	simm.s32 $0x1;
	s5 =	smul.u32 $0x32, s5  }
0xc: {  	s6 =	sadd.s32 $0xF42C00, s6;
	s10 =	smov.u32 s2;
	[sflag:s4] =	ssyncpa.u1 $0x0  }
0xd: {  	p0 =	por $0x0, $0x0;
	[sflag:s7] =	ssyncpa.u1 $0x0;
	s7 =	sor.u32 $0x1, s5  }
.LBB1_4:
0xe: {  	s16 =	sshll.u32 s13, $0x3;
	s17 =	sand.u32 $0x78, s13  }
0xf: {  	s30 =	sand.u32 $0x1F800, s13;
	s12 =	sshll.u32 s12, $0x11;
	s16 =	sand.u32 $0x3C00, s16  }
0x10: {  	[tilespmem:s15+$0x810 ss:$0x81] =	vst.msk $0xffff, v2;
	s31 =	sand.u32 $0x7, s13;
	s16 =	sor.u32 s17, s16;
	s17 =	sadd.s32 s3, s30  }
0x11: {  	[tilespmem:s15+$0x1020 ss:$0x81] =	vst.msk $0xffff, v0;
	s13 =	sshll.u32 s31, $0x12;
	s12 =	sadd.s32 s12, s17;
	s16 =	sshrl.u32 s16, $0x3  }
0x12: {  	[tilespmem:s15+$0x0 ss:$0x81] =	vst.msk $0xffff, v1;
	s13 =	sor.u32 $0x400, s13;
	s12 =	sadd.s32 s16, s12  }
0x13: {  	[hbm4b:s12+s13] =	stream.strided.scatter [tilespmem:s14], [sflag:$0x2], $0x2000, s8, s13, $0x20;
	[tilespmem:$0x8080] =	vst v63  }
.LBB1_5:
0x14: {  	s14 =	sadd.s32 $0x1, s9  }
0x15: {  	s12 =	sadd.s32 $0x1000, s10;
	s16 =	smov.u32 s10;
	p2 =	sgt.s32 s14, $0x31  }
0x16: {  	s16 =	smov.u32 @p2 s12  }
0x17: {  	s14 =	simm.s32 @p2 $0x0;
	p2 =	sgt.s32 s16, $0x3FFF  }
0x18: {  	s16 =	smov.u32 @p2 s2;
	p2 =	sne.s32 s11, s7  }
.Ltmp1:
0x19: {  	p1 =	slt.u32 s11, $0x2;
	(pc) =	sbr.rel @!p2 .LBB1_6-.Ltmp1, $4  }
0x1a: {  	s15 =	simm.s32 @!p1 $0x2  }
0x1b: {  	s13 =	smov.u32 s10;
	p0 =	por !p0, !p0;
	_ =	swait.ge @!p1 [sflag:s15], $0x2000  }
0x1c: {  	s12 =	smov.u32 s9;
	[sflag:s15] =	ssyncset.done @!p1 $0x0;
	s9 =	smov.u32 s14  }
0x1d: {  	s11 =	sadd.s32 $0x1, s11;
	[sflag:s15] =	ssyncadd.s32 @!p1 $0xFFFFE000;
	s10 =	smov.u32 s16  }
.LBB1_1:
0x1e: {  	p1 =	sge.u32 s11, s5  }
0x1f: {  	s14 =	sand.u32 @!p1 $0x1FFFFFF, s9  }
0x20: {  	s15 =	smulhi.u32 @!p1 $0x4924925, s14;
	_ =	sdelay $0x1  }
0x21: {  	s15 =	smul.u32 @!p1 $0x38, s15  }
0x22: {  	s16 =	sxor.u32 @!p1 $0xFFFFFFFF, s11;
	s17 =	smul.u32 @!p1 $0x380, s10  }
0x23: {  	s31 =	sadd.s32 $0xFFFFFFFF, s11;
	s16 =	sshll.u32 @!p1 s16, $0xD;
	s14 =	ssub.s32 @!p1 s14, s15  }
0x24: {  	s15 =	sand.u32 @!p1 $0x2000, s16;
	s16 =	sadd.s32 @!p1 s6, s17;
	s14 =	sshll.u32 @!p1 s14, $0x4  }
0x25: {  	s17 =	simm.s32 @!p1 $0x1C00;
	s14 =	sadd.s32 @!p1 s14, s16;
	s16 =	simm.s32 @!p1 $0x40  }
0x26: {  	[tilespmem:s15], [sflag:$0x1] =	stream.strided.gather @!p1 [hbm4b:s14+s16], $0x2000, s17, s16, $0x38;
	[tilespmem:$0x8080] =	vst v63  }
0x27: {  	p1 =	sge.u32 s31, s5  }
.Ltmp2:
0x28: {  	_ = 	snop;
	(pc) =	sbr.rel @p1 .LBB1_5-.Ltmp2, $1  }
0x29: {  	_ =	sdelay $0x3  }
0x2a: {  	s14 =	simm.s32 $0x1  }
0x2b: {  	_ =	swait.ge [sflag:s4], $0x2000;
	s14 =	simm.s32 @!p0 $0x0  }
0x2c: {  	[sflag:s4] =	ssyncset.done $0x0;
	s15 =	sshll.u32 s14, $0xD  }
0x2d: {  	[sflag:s4] =	ssyncadd.s32 $0xFFFFE000;
	s18 =	sor.u32 $0x20, s15  }
0x2e: {  	s14 =	smul.u32 $0x8100, s14;
	v3 =	vld [tilespmem:s18+$0x10]  }
0x2f: {  	s30 =	sand.u32 $0x1, s11;
	v2 =	vld [tilespmem:s18+$0xFFFFFFF0]  }
0x30: {  	s15 =	smul.u32 $0x8100, s30;
	s14 =	sshrl.u32 s14, $0x2;
	v0 =	vld [tilespmem:s18+$0x0]  }
0x31: {  	v1 =	vld [tilespmem:s18+$0xFFFFFFE0];
	s16 =	sor.u32 $0x4000, s14  }
0x32: {  	s31 =	sshrl.u32 s15, $0x2;
	s15 =	sadd.s32 $0x0, s16  }
0x33: {  	s17 =	simm.s32 $0x4;
	s18 =	sadd.s32 $0x40, s18;
	s14 =	sor.u32 $0x4000, s31;
	[tilespmem:s15+$0x1830 ss:$0x81] =	vst.msk $0xffff, v3  }
.LBB1_3:
0x34: {  	v3 =	vld [tilespmem:s18+$0x10];
	p1 =	sne.s32 s17, $0x1FC;
	[tilespmem:s15+$0x810 ss:$0x81] =	vst.msk $0xffff, v2;
	s19 =	smov.u32 s17;
	s17 =	sadd.s32 $0x4, s17  }
.Ltmp3:
0x35: {  	v2 =	vld [tilespmem:s18+$0xFFFFFFF0];
	[tilespmem:s15+$0x1020 ss:$0x81] =	vst.msk $0xffff, v0;
	(pc) =	sbr.rel @p1 .LBB1_3-.Ltmp3, $4  }
0x36: {  	v0 =	vld [tilespmem:s18+$0x0];
	[tilespmem:s15+$0x0 ss:$0x81] =	vst.msk $0xffff, v1  }
0x37: {  	s15 =	sshra.s32 s19, $0x2;
	v1 =	vld [tilespmem:s18+$0xFFFFFFE0]  }
0x38: {  	s15 =	sadd.s32 s15, s16  }
0x39: {  	s18 =	sadd.s32 $0x40, s18;
	[tilespmem:s15+$0x1830 ss:$0x81] =	vst.msk $0xffff, v3  }
.Ltmp4:
0x3a: {  	_ = 	snop;
	(pc) =	sbr.rel .LBB1_4-.Ltmp4, $1  }
0x3b: {  	_ =	sdelay $0x3  }
.LBB1_6:
0x3c: {  	_ =	sfence.sel $0x180000  }
0x3d: {  	s2 =	simm.s32 $0x1;
	[bflag:$0x0] =	sbarrier.arrive $0xFFFF  }
0x3e: {  	s31 =	simm.s32 $0x2;
	[sflag:s2] =	ssyncpa.u1 $0x1  }
0x3f: {  	[sflag:s31] =	ssyncpa.u1 $0x1  }
0x40: {  	p0 =	sne.s32 s0, $0x0;
	_ =	strace $0x9000004A  }
0x41: {  	s0 =	sadd.s32 @!p0 $0x100000, s1;
	[bflag:$0x2] =	sbarrier.arrive $0xFFFF  }
0x42: {  	[sflag:s0] =	ssyncadd.tile.s32 @!p0 $0x1;
	_ =	shalt  }
.Lfunc_end1:
_tile_overlayer_lowered:
.L_overlay_start_2:
0x43: {  	(tag) =	ssettag $0x2  }
0x44: {  	s0 =	rddreg [dreg:$0x0];
	s2 =	stileid.u32  }
0x45: {  	s1 =	rddreg [dreg:$0x1];
	p0 =	sne.s32 s2, $0x0  }
0x46: {  	s3 =	rddreg [dreg:$0x2];
	[bflag:$0x3] =	sbarrier.arrive $0xFFFF;
	s2 =	simm.s32 @!p0 $0x1C01  }
0x47: {  	[timem:s3], [sflag:s2] =	dma.local @!p0 [hbm:s0], s1  }
0x48: {  	s0 =	simm.s32 @!p0 $0x1  }
0x49: {  	_ =	swait.ge @!p0 [sflag:s0], s1  }
0x4a: {  	s1 =	ssub.s32 @!p0 $0x0, s1;
	[sflag:s0] =	ssyncset.done @!p0 $0x0  }
0x4b: {  	[sflag:s0] =	ssyncadd.s32 @!p0 s1  }
0x4c: {  	[bflag:$0x3] =	sbarrier.arrive $0xFFFF  }
0x4d: {  	_ =	shalt  }

</sc_bundles>
